<compile_context>
chip_gen: v7x
topology: tpu7x:2x2x1
jax: 0.10.2.dev20260603
libtpu: 0.0.44.dev20260713+nightly
codegen_flags: <defaults>
</compile_context>

<pallas_src>
import jax
import jax.numpy as jnp
import numpy as np
from jax import lax
from jax.experimental import pallas as pl
from jax.experimental.pallas import tpu as pltpu
from jax.experimental.pallas import tpu_sc as plsc
import functools

DIM = 1024
SD = 128
SHID = 256
NE = 8
B = 4
S = 2048
TCHUNK = 128
NT = S // TCHUNK
TOK = B * TCHUNK


_i0 = np.int32(0)


def _routes(tok_u32):
    x = tok_u32
    x = x ^ (x >> 16)
    x = x * jnp.uint32(2246822507)
    x = x ^ (x >> 13)
    x = x * jnp.uint32(3266489909)
    x = x ^ (x >> 16)
    return (x & jnp.uint32(7)).astype(jnp.int32)


_NW = 32
_PER_W = (B * S) // _NW
_VREGS = _PER_W // 16


def _routes_sc(tok_flat_u32):
    mesh = plsc.VectorSubcoreMesh(core_axis_name="c", subcore_axis_name="s")

    @functools.partial(
        pl.kernel, mesh=mesh,
        out_type=jax.ShapeDtypeStruct((B * S,), jnp.int32),
        scratch_types=[
            pltpu.VMEM((_PER_W,), jnp.uint32),
            pltpu.VMEM((_PER_W,), jnp.int32),
        ],
    )
    def k(tok_hbm, out_hbm, tin, tout):
        wid = lax.axis_index("s") * 2 + lax.axis_index("c")
        base = wid * _PER_W
        pltpu.sync_copy(tok_hbm.at[pl.ds(base, _PER_W)], tin)
        for i in range(_VREGS):
            tout[pl.ds(i * 16, 16)] = _routes(tin[pl.ds(i * 16, 16)])
        pltpu.sync_copy(tout, out_hbm.at[pl.ds(base, _PER_W)])

    return k(tok_flat_u32)


def _dot_nt(a, b):
    return lax.dot_general(a, b, (((1,), (1,)), ((), ())),
                           preferred_element_type=jnp.float32)


def _shift_down(x, s, fill):
    rolled = pltpu.roll(x, jnp.int32(s), 0)
    tmod = lax.rem(lax.broadcasted_iota(jnp.int32, x.shape, 0),
                   jnp.int32(TCHUNK))
    return jnp.where(tmod >= s, rolled, fill)


def _ssm_body(tok_ref, x_ref, wi_ref, wsi_ref, wsot_ref, wot_ref, d_ref,
              out_ref, h_ref):
    t = pl.program_id(0)

    @pl.when(t == 0)
    def _():
        h_ref[...] = jnp.zeros_like(h_ref)

    r = tok_ref[0]
    xc = x_ref[...].reshape(TOK, DIM)

    u_all = _dot_nt(xc, wi_ref[...])
    sh = _dot_nt(xc, wsi_ref[...])
    sh = sh * jax.nn.sigmoid(sh)
    lane_sh = lax.broadcasted_iota(jnp.int32, (TOK, NE * SHID), 1) // SHID
    shm = jnp.where(lane_sh == r, sh, 0.0)
    sel = _dot_nt(shm, wsot_ref[...])

    lane_e = lax.broadcasted_iota(jnp.int32, (TOK, NE * SD), 1) // SD
    eq = lane_e == r

    u = jnp.zeros((TOK, SD), jnp.float32)
    for e in range(NE):
        u = u + jnp.where(r == e, u_all[:, e * SD:(e + 1) * SD], 0.0)

    a = jax.nn.sigmoid(sel[:, :SD])
    b = jnp.tanh(sel[:, SD:2 * SD])
    c = jnp.tanh(sel[:, 2 * SD:3 * SD])
    dd = jax.nn.sigmoid(sel[:, 3 * SD:])
    v = b * u

    a_rep = jnp.concatenate([a] * NE, axis=1)
    v_rep = jnp.concatenate([v] * NE, axis=1)
    A = jnp.where(eq, a_rep, 1.0)
    V = jnp.where(eq, v_rep, 0.0)

    s = 1
    while s < TCHUNK:
        Ash = _shift_down(A, s, 1.0)
        Vsh = _shift_down(V, s, 0.0)
        V = V + A * Vsh
        A = A * Ash
        s *= 2

    h_enter = jnp.broadcast_to(h_ref[...][:, None, :],
                               (B, TCHUNK, NE * SD)).reshape(TOK, NE * SD)
    h_all = V + A * h_enter
    h_ref[...] = h_all.reshape(B, TCHUNK, NE * SD)[:, TCHUNK - 1]

    h_sel = jnp.zeros((TOK, SD), jnp.float32)
    d_sel = jnp.zeros((TOK, SD), jnp.float32)
    for e in range(NE):
        m = r == e
        h_sel = h_sel + jnp.where(m, h_all[:, e * SD:(e + 1) * SD], 0.0)
        d_sel = d_sel + jnp.where(m, d_ref[e][None, :], 0.0)

    y = c * h_sel + d_sel * dd * u

    y_rep = jnp.concatenate([y] * NE, axis=1)
    y_wide = jnp.where(eq, y_rep, 0.0)
    out_acc = _dot_nt(y_wide, wot_ref[...])
    out_ref[...] = out_acc.reshape(B, TCHUNK, DIM)


def _to_f32(w):
    return w.astype(jnp.float32)


def _to_out_dtype(y, out_dtype):
    return y.astype(out_dtype)


def kernel(x, token_ids, W_in, W_si, W_so, W_out, d_param):
    out_dtype = jnp.result_type(W_out.dtype, x.dtype)
    routes = _routes_sc(token_ids.astype(jnp.uint32).reshape(B * S))
    tok_col = (routes.reshape(B, NT, TCHUNK).transpose(1, 0, 2)
               .reshape(NT, TOK, 1))
    x = _to_f32(x)
    W_in = _to_f32(W_in).reshape(NE * SD, DIM)
    W_si = _to_f32(W_si).reshape(NE * SHID, DIM)
    W_so = _to_f32(W_so).transpose(1, 0, 2).reshape(4 * SD, NE * SHID)
    W_out = _to_f32(W_out).transpose(1, 0, 2).reshape(DIM, NE * SD)
    d_param = _to_f32(d_param)
    out = pl.pallas_call(
        _ssm_body,
        grid=(NT,),
        in_specs=[
            pl.BlockSpec((1, TOK, 1), lambda t: (t, _i0, _i0)),
            pl.BlockSpec((B, TCHUNK, DIM), lambda t: (_i0, t, _i0)),
            pl.BlockSpec((NE * SD, DIM), lambda t: (_i0, _i0)),
            pl.BlockSpec((NE * SHID, DIM), lambda t: (_i0, _i0)),
            pl.BlockSpec((4 * SD, NE * SHID), lambda t: (_i0, _i0)),
            pl.BlockSpec((DIM, NE * SD), lambda t: (_i0, _i0)),
            pl.BlockSpec((NE, SD), lambda t: (_i0, _i0)),
        ],
        out_specs=pl.BlockSpec((B, TCHUNK, DIM), lambda t: (_i0, t, _i0)),
        out_shape=jax.ShapeDtypeStruct((B, S, DIM), jnp.float32),
        scratch_shapes=[pltpu.VMEM((B, NE * SD), jnp.float32)],
        compiler_params=pltpu.CompilerParams(
            dimension_semantics=("arbitrary",)),
    )(tok_col, x, W_in, W_si, W_so, W_out, d_param)
    return _to_out_dtype(out, out_dtype)

# --- scband reference (transcript-rebuilt; emitter-appended) ---
"""Pipeline reference for scband-hash-routed-ssmlayer-55301998903669 (READ-ONLY COPY).

The authoritative reference and input builder live on the scoring server;
editing this copy changes nothing except your own understanding.
"""

import jax, jax.numpy as jnp
import numpy as np

jax.config.update("jax_enable_x64", True)

DIM = 1024
STATE_DIM = 128
SELECTOR_HIDDEN = 256
NUM_EXPERTS = 8
BATCH = 4
SEQ = 2048


def murmurhash3_finalizer(token_ids):
    x = token_ids.astype(jnp.int64)
    x = x ^ (x >> 16)
    x = (x * jnp.int64(2246822507)) & jnp.int64(4294967295)
    x = x ^ (x >> 13)
    x = (x * jnp.int64(3266489909)) & jnp.int64(4294967295)
    x = x ^ (x >> 16)
    return x


def setup_inputs(seed: int = 0):
    key = jax.random.key(seed)
    ks = jax.random.split(key, 8)
    x = jax.random.normal(ks[0], (BATCH, SEQ, DIM), dtype=jnp.float32)
    token_ids = jax.random.randint(ks[1], (BATCH, SEQ), 0, 50257, dtype=jnp.int64)
    W_in = jax.random.normal(ks[2], (NUM_EXPERTS, STATE_DIM, DIM), dtype=jnp.float32) / np.sqrt(DIM)
    W_si = jax.random.normal(ks[3], (NUM_EXPERTS, SELECTOR_HIDDEN, DIM), dtype=jnp.float32) / np.sqrt(DIM)
    W_so = jax.random.normal(ks[4], (NUM_EXPERTS, 4 * STATE_DIM, SELECTOR_HIDDEN), dtype=jnp.float32) / np.sqrt(SELECTOR_HIDDEN)
    W_out = jax.random.normal(ks[5], (NUM_EXPERTS, DIM, STATE_DIM), dtype=jnp.float32) / np.sqrt(STATE_DIM)
    d_param = jnp.ones((NUM_EXPERTS, STATE_DIM), dtype=jnp.float32)
    return {"x": x, "token_ids": token_ids, "W_in": W_in, "W_si": W_si, "W_so": W_so, "W_out": W_out, "d_param": d_param}


def _forward(x, W_in, W_si, W_so, W_out, d_param, routes):
    batch = x.shape[0]
    rows = jnp.arange(batch)
    states0 = jnp.zeros((NUM_EXPERTS, batch, STATE_DIM), dtype=x.dtype)

    def step(states, inp):
        x_t, r_t = inp
        Wi = jnp.take(W_in, r_t, axis=0)
        Wsi = jnp.take(W_si, r_t, axis=0)
        Wso = jnp.take(W_so, r_t, axis=0)
        Wo = jnp.take(W_out, r_t, axis=0)
        d_row = jnp.take(d_param, r_t, axis=0)
        u_t = jnp.einsum('bsd,bd->bs', Wi, x_t)
        sh = jnp.einsum('bhd,bd->bh', Wsi, x_t)
        sh = sh * jax.nn.sigmoid(sh)
        sel = jnp.einsum('bos,bs->bo', Wso, sh)
        a_raw, b_raw, c_raw, dd_raw = jnp.split(sel, 4, axis=-1)
        a_t = jax.nn.sigmoid(a_raw)
        b_t = jnp.tanh(b_raw)
        c_t = jnp.tanh(c_raw)
        dd_t = jax.nn.sigmoid(dd_raw)
        h_prev = states[r_t, rows]
        h_t = a_t * h_prev + b_t * u_t
        y_t = c_t * h_t + d_row * dd_t * u_t
        out_t = jnp.einsum('bds,bs->bd', Wo, y_t)
        states = states.at[r_t, rows].set(h_t)
        return states, out_t

    xs = (jnp.swapaxes(x, 0, 1), jnp.swapaxes(routes, 0, 1))
    _, outs = jax.lax.scan(step, states0, xs)
    return jnp.swapaxes(outs, 0, 1)


def reference(x, token_ids, W_in, W_si, W_so, W_out, d_param):
    routes = murmurhash3_finalizer(token_ids) % NUM_EXPERTS
    return _forward(x, W_in, W_si, W_so, W_out, d_param, routes)

if __name__ == "__main__":
    import jax
    _d = setup_inputs()
    print(jax.jit(kernel)(*tuple(_d.values())))

</pallas_src>

<mosaic_0001>
#map = affine_map<(d0, d1) -> (0)>
module attributes {stable_mosaic.version = 14 : i64} {
  func.func @k(%arg0: i32, %arg1: i32, %arg2: memref<8192xi32, #tpu.memory_space<hbm>>, %arg3: memref<8192xi32, #tpu.memory_space<hbm>>, %arg4: memref<256xi32, #tpu.memory_space<vmem>>, %arg5: memref<256xi32, #tpu.memory_space<vmem>>) attributes {dimension_semantics = [#tpu.dimension_semantics<core_parallel>, #tpu.dimension_semantics<subcore_parallel>], iteration_bounds = array<i64: 2, 16>, scalar_prefetch = 0 : i64, scratch_operands = 2 : i64, tpu.core_type = #tpu.core_type<sc_vector_subcore>, window_params = [{transform_indices = #map}, {transform_indices = #map}]} {
    %mul3A = arith.constant 2 : i32
    %mul3A_0 = arith.muli %arg1, %mul3A : i32
    %add3A = arith.addi %mul3A_0, %arg0 : i32
    %mul3A_1 = arith.constant 256 : i32
    %mul3A_2 = arith.muli %add3A, %mul3A_1 : i32
    "tpu.region"() ({
      %run_scoped3A = tpu.sem_alloc : memref<!tpu.dma_semaphore, #tpu.memory_space<semaphore_mem>>
      %dma_start3A = tpu.memref_slice %arg2[%mul3A_2] : memref<8192xi32, #tpu.memory_space<hbm>> -> memref<256xi32, #tpu.memory_space<hbm>>
      %dma_start3A_446 = tpu.memref_slice %arg2[%mul3A_2] : memref<8192xi32, #tpu.memory_space<hbm>> -> memref<256xi32, #tpu.memory_space<hbm>>
      tpu.enqueue_dma source(%dma_start3A_446 : memref<256xi32, #tpu.memory_space<hbm>>) target(%arg4 : memref<256xi32, #tpu.memory_space<vmem>>) target_semaphore(%run_scoped3A : memref<!tpu.dma_semaphore, #tpu.memory_space<semaphore_mem>>)
      %dma_wait3A = tpu.memref_slice %arg2[%mul3A_2] : memref<8192xi32, #tpu.memory_space<hbm>> -> memref<256xi32, #tpu.memory_space<hbm>>
      %dma_wait3A_447 = tpu.memref_slice %arg2[%mul3A_2] : memref<8192xi32, #tpu.memory_space<hbm>> -> memref<256xi32, #tpu.memory_space<hbm>>
      tpu.wait_dma2 semaphore(%run_scoped3A : memref<!tpu.dma_semaphore, #tpu.memory_space<semaphore_mem>>) src(%dma_wait3A_447 : memref<256xi32, #tpu.memory_space<hbm>>) dst(%arg4 : memref<256xi32, #tpu.memory_space<vmem>>)
      tpu.yield
    }) : () -> ()
    %get3A = arith.constant 0 : index
    %get3A_3 = tpu.vector_load %arg4[%get3A] {strides = array<i32>} : memref<256xi32, #tpu.memory_space<vmem>>, vector<16xi32>,
    %get3A_4 = vector.shape_cast %get3A_3 : vector<16xi32> to vector<16xi32>
    %shift_right_logical3A = arith.constant 16 : i32
    %shift_right_logical3A_5 = vector.broadcast %shift_right_logical3A : i32 to vector<16xi32>
    %shift_right_logical3A_6 = arith.shrui %get3A_4, %shift_right_logical3A_5 : vector<16xi32>
    %xor3A = arith.xori %get3A_4, %shift_right_logical3A_6 : vector<16xi32>
    %mul3A_7 = arith.constant -2048144789 : i32
    %mul3A_8 = vector.broadcast %mul3A_7 : i32 to vector<16xi32>
    %mul3A_9 = arith.muli %xor3A, %mul3A_8 : vector<16xi32>
    %shift_right_logical3A_10 = arith.constant 13 : i32
    %shift_right_logical3A_11 = vector.broadcast %shift_right_logical3A_10 : i32 to vector<16xi32>
    %shift_right_logical3A_12 = arith.shrui %mul3A_9, %shift_right_logical3A_11 : vector<16xi32>
    %xor3A_13 = arith.xori %mul3A_9, %shift_right_logical3A_12 : vector<16xi32>
    %mul3A_14 = arith.constant -1028477387 : i32
    %mul3A_15 = vector.broadcast %mul3A_14 : i32 to vector<16xi32>
    %mul3A_16 = arith.muli %xor3A_13, %mul3A_15 : vector<16xi32>
    %shift_right_logical3A_17 = arith.constant 16 : i32
    %shift_right_logical3A_18 = vector.broadcast %shift_right_logical3A_17 : i32 to vector<16xi32>
    %shift_right_logical3A_19 = arith.shrui %mul3A_16, %shift_right_logical3A_18 : vector<16xi32>
    %xor3A_20 = arith.xori %mul3A_16, %shift_right_logical3A_19 : vector<16xi32>
    %and3A = arith.constant 7 : i32
    %and3A_21 = vector.broadcast %and3A : i32 to vector<16xi32>
    %and3A_22 = arith.andi %xor3A_20, %and3A_21 : vector<16xi32>
    %swap3A = arith.constant 0 : index
    %swap3A_23 = tpu.vector_load %arg5[%swap3A] {strides = array<i32>} : memref<256xi32, #tpu.memory_space<vmem>>, vector<16xi32>,
    %swap3A_24 = vector.shape_cast %swap3A_23 : vector<16xi32> to vector<16xi32>
    %swap3A_25 = vector.shape_cast %and3A_22 : vector<16xi32> to vector<16xi32>
    tpu.vector_store %arg5[%swap3A], %swap3A_25 {strides = array<i32>} : memref<256xi32, #tpu.memory_space<vmem>>, vector<16xi32>,
    %get3A_26 = arith.constant 16 : index
    %get3A_27 = tpu.vector_load %arg4[%get3A_26] {strides = array<i32>} : memref<256xi32, #tpu.memory_space<vmem>>, vector<16xi32>,
    %get3A_28 = vector.shape_cast %get3A_27 : vector<16xi32> to vector<16xi32>
    %shift_right_logical3A_29 = arith.constant 16 : i32
    %shift_right_logical3A_30 = vector.broadcast %shift_right_logical3A_29 : i32 to vector<16xi32>
    %shift_right_logical3A_31 = arith.shrui %get3A_28, %shift_right_logical3A_30 : vector<16xi32>
    %xor3A_32 = arith.xori %get3A_28, %shift_right_logical3A_31 : vector<16xi32>
    %mul3A_33 = arith.constant -2048144789 : i32
    %mul3A_34 = vector.broadcast %mul3A_33 : i32 to vector<16xi32>
    %mul3A_35 = arith.muli %xor3A_32, %mul3A_34 : vector<16xi32>
    %shift_right_logical3A_36 = arith.constant 13 : i32
    %shift_right_logical3A_37 = vector.broadcast %shift_right_logical3A_36 : i32 to vector<16xi32>
    %shift_right_logical3A_38 = arith.shrui %mul3A_35, %shift_right_logical3A_37 : vector<16xi32>
    %xor3A_39 = arith.xori %mul3A_35, %shift_right_logical3A_38 : vector<16xi32>
    %mul3A_40 = arith.constant -1028477387 : i32
    %mul3A_41 = vector.broadcast %mul3A_40 : i32 to vector<16xi32>
    %mul3A_42 = arith.muli %xor3A_39, %mul3A_41 : vector<16xi32>
    %shift_right_logical3A_43 = arith.constant 16 : i32
    %shift_right_logical3A_44 = vector.broadcast %shift_right_logical3A_43 : i32 to vector<16xi32>
    %shift_right_logical3A_45 = arith.shrui %mul3A_42, %shift_right_logical3A_44 : vector<16xi32>
    %xor3A_46 = arith.xori %mul3A_42, %shift_right_logical3A_45 : vector<16xi32>
    %and3A_47 = arith.constant 7 : i32
    %and3A_48 = vector.broadcast %and3A_47 : i32 to vector<16xi32>
    %and3A_49 = arith.andi %xor3A_46, %and3A_48 : vector<16xi32>
    %swap3A_50 = arith.constant 16 : index
    %swap3A_51 = tpu.vector_load %arg5[%swap3A_50] {strides = array<i32>} : memref<256xi32, #tpu.memory_space<vmem>>, vector<16xi32>,
    %swap3A_52 = vector.shape_cast %swap3A_51 : vector<16xi32> to vector<16xi32>
    %swap3A_53 = vector.shape_cast %and3A_49 : vector<16xi32> to vector<16xi32>
    tpu.vector_store %arg5[%swap3A_50], %swap3A_53 {strides = array<i32>} : memref<256xi32, #tpu.memory_space<vmem>>, vector<16xi32>,
    %get3A_54 = arith.constant 32 : index
    %get3A_55 = tpu.vector_load %arg4[%get3A_54] {strides = array<i32>} : memref<256xi32, #tpu.memory_space<vmem>>, vector<16xi32>,
    %get3A_56 = vector.shape_cast %get3A_55 : vector<16xi32> to vector<16xi32>
    %shift_right_logical3A_57 = arith.constant 16 : i32
    %shift_right_logical3A_58 = vector.broadcast %shift_right_logical3A_57 : i32 to vector<16xi32>
    %shift_right_logical3A_59 = arith.shrui %get3A_56, %shift_right_logical3A_58 : vector<16xi32>
    %xor3A_60 = arith.xori %get3A_56, %shift_right_logical3A_59 : vector<16xi32>
    %mul3A_61 = arith.constant -2048144789 : i32
    %mul3A_62 = vector.broadcast %mul3A_61 : i32 to vector<16xi32>
    %mul3A_63 = arith.muli %xor3A_60, %mul3A_62 : vector<16xi32>
    %shift_right_logical3A_64 = arith.constant 13 : i32
    %shift_right_logical3A_65 = vector.broadcast %shift_right_logical3A_64 : i32 to vector<16xi32>
    %shift_right_logical3A_66 = arith.shrui %mul3A_63, %shift_right_logical3A_65 : vector<16xi32>
    %xor3A_67 = arith.xori %mul3A_63, %shift_right_logical3A_66 : vector<16xi32>
    %mul3A_68 = arith.constant -1028477387 : i32
    %mul3A_69 = vector.broadcast %mul3A_68 : i32 to vector<16xi32>
    %mul3A_70 = arith.muli %xor3A_67, %mul3A_69 : vector<16xi32>
    %shift_right_logical3A_71 = arith.constant 16 : i32
    %shift_right_logical3A_72 = vector.broadcast %shift_right_logical3A_71 : i32 to vector<16xi32>
    %shift_right_logical3A_73 = arith.shrui %mul3A_70, %shift_right_logical3A_72 : vector<16xi32>
    %xor3A_74 = arith.xori %mul3A_70, %shift_right_logical3A_73 : vector<16xi32>
    %and3A_75 = arith.constant 7 : i32
    %and3A_76 = vector.broadcast %and3A_75 : i32 to vector<16xi32>
    %and3A_77 = arith.andi %xor3A_74, %and3A_76 : vector<16xi32>
    %swap3A_78 = arith.constant 32 : index
    %swap3A_79 = tpu.vector_load %arg5[%swap3A_78] {strides = array<i32>} : memref<256xi32, #tpu.memory_space<vmem>>, vector<16xi32>,
    %swap3A_80 = vector.shape_cast %swap3A_79 : vector<16xi32> to vector<16xi32>
    %swap3A_81 = vector.shape_cast %and3A_77 : vector<16xi32> to vector<16xi32>
    tpu.vector_store %arg5[%swap3A_78], %swap3A_81 {strides = array<i32>} : memref<256xi32, #tpu.memory_space<vmem>>, vector<16xi32>,
    %get3A_82 = arith.constant 48 : index
    %get3A_83 = tpu.vector_load %arg4[%get3A_82] {strides = array<i32>} : memref<256xi32, #tpu.memory_space<vmem>>, vector<16xi32>,
    %get3A_84 = vector.shape_cast %get3A_83 : vector<16xi32> to vector<16xi32>
    %shift_right_logical3A_85 = arith.constant 16 : i32
    %shift_right_logical3A_86 = vector.broadcast %shift_right_logical3A_85 : i32 to vector<16xi32>
    %shift_right_logical3A_87 = arith.shrui %get3A_84, %shift_right_logical3A_86 : vector<16xi32>
    %xor3A_88 = arith.xori %get3A_84, %shift_right_logical3A_87 : vector<16xi32>
    %mul3A_89 = arith.constant -2048144789 : i32
    %mul3A_90 = vector.broadcast %mul3A_89 : i32 to vector<16xi32>
    %mul3A_91 = arith.muli %xor3A_88, %mul3A_90 : vector<16xi32>
    %shift_right_logical3A_92 = arith.constant 13 : i32
    %shift_right_logical3A_93 = vector.broadcast %shift_right_logical3A_92 : i32 to vector<16xi32>
    %shift_right_logical3A_94 = arith.shrui %mul3A_91, %shift_right_logical3A_93 : vector<16xi32>
    %xor3A_95 = arith.xori %mul3A_91, %shift_right_logical3A_94 : vector<16xi32>
    %mul3A_96 = arith.constant -1028477387 : i32
    %mul3A_97 = vector.broadcast %mul3A_96 : i32 to vector<16xi32>
    %mul3A_98 = arith.muli %xor3A_95, %mul3A_97 : vector<16xi32>
    %shift_right_logical3A_99 = arith.constant 16 : i32
    %shift_right_logical3A_100 = vector.broadcast %shift_right_logical3A_99 : i32 to vector<16xi32>
    %shift_right_logical3A_101 = arith.shrui %mul3A_98, %shift_right_logical3A_100 : vector<16xi32>
    %xor3A_102 = arith.xori %mul3A_98, %shift_right_logical3A_101 : vector<16xi32>
    %and3A_103 = arith.constant 7 : i32
    %and3A_104 = vector.broadcast %and3A_103 : i32 to vector<16xi32>
    %and3A_105 = arith.andi %xor3A_102, %and3A_104 : vector<16xi32>
    %swap3A_106 = arith.constant 48 : index
    %swap3A_107 = tpu.vector_load %arg5[%swap3A_106] {strides = array<i32>} : memref<256xi32, #tpu.memory_space<vmem>>, vector<16xi32>,
    %swap3A_108 = vector.shape_cast %swap3A_107 : vector<16xi32> to vector<16xi32>
    %swap3A_109 = vector.shape_cast %and3A_105 : vector<16xi32> to vector<16xi32>
    tpu.vector_store %arg5[%swap3A_106], %swap3A_109 {strides = array<i32>} : memref<256xi32, #tpu.memory_space<vmem>>, vector<16xi32>,
    %get3A_110 = arith.constant 64 : index
    %get3A_111 = tpu.vector_load %arg4[%get3A_110] {strides = array<i32>} : memref<256xi32, #tpu.memory_space<vmem>>, vector<16xi32>,
    %get3A_112 = vector.shape_cast %get3A_111 : vector<16xi32> to vector<16xi32>
    %shift_right_logical3A_113 = arith.constant 16 : i32
    %shift_right_logical3A_114 = vector.broadcast %shift_right_logical3A_113 : i32 to vector<16xi32>
    %shift_right_logical3A_115 = arith.shrui %get3A_112, %shift_right_logical3A_114 : vector<16xi32>
    %xor3A_116 = arith.xori %get3A_112, %shift_right_logical3A_115 : vector<16xi32>
    %mul3A_117 = arith.constant -2048144789 : i32
    %mul3A_118 = vector.broadcast %mul3A_117 : i32 to vector<16xi32>
    %mul3A_119 = arith.muli %xor3A_116, %mul3A_118 : vector<16xi32>
    %shift_right_logical3A_120 = arith.constant 13 : i32
    %shift_right_logical3A_121 = vector.broadcast %shift_right_logical3A_120 : i32 to vector<16xi32>
    %shift_right_logical3A_122 = arith.shrui %mul3A_119, %shift_right_logical3A_121 : vector<16xi32>
    %xor3A_123 = arith.xori %mul3A_119, %shift_right_logical3A_122 : vector<16xi32>
    %mul3A_124 = arith.constant -1028477387 : i32
    %mul3A_125 = vector.broadcast %mul3A_124 : i32 to vector<16xi32>
    %mul3A_126 = arith.muli %xor3A_123, %mul3A_125 : vector<16xi32>
    %shift_right_logical3A_127 = arith.constant 16 : i32
    %shift_right_logical3A_128 = vector.broadcast %shift_right_logical3A_127 : i32 to vector<16xi32>
    %shift_right_logical3A_129 = arith.shrui %mul3A_126, %shift_right_logical3A_128 : vector<16xi32>
    %xor3A_130 = arith.xori %mul3A_126, %shift_right_logical3A_129 : vector<16xi32>
    %and3A_131 = arith.constant 7 : i32
    %and3A_132 = vector.broadcast %and3A_131 : i32 to vector<16xi32>
    %and3A_133 = arith.andi %xor3A_130, %and3A_132 : vector<16xi32>
    %swap3A_134 = arith.constant 64 : index
    %swap3A_135 = tpu.vector_load %arg5[%swap3A_134] {strides = array<i32>} : memref<256xi32, #tpu.memory_space<vmem>>, vector<16xi32>,
    %swap3A_136 = vector.shape_cast %swap3A_135 : vector<16xi32> to vector<16xi32>
    %swap3A_137 = vector.shape_cast %and3A_133 : vector<16xi32> to vector<16xi32>
    tpu.vector_store %arg5[%swap3A_134], %swap3A_137 {strides = array<i32>} : memref<256xi32, #tpu.memory_space<vmem>>, vector<16xi32>,
    %get3A_138 = arith.constant 80 : index
    %get3A_139 = tpu.vector_load %arg4[%get3A_138] {strides = array<i32>} : memref<256xi32, #tpu.memory_space<vmem>>, vector<16xi32>,
    %get3A_140 = vector.shape_cast %get3A_139 : vector<16xi32> to vector<16xi32>
    %shift_right_logical3A_141 = arith.constant 16 : i32
    %shift_right_logical3A_142 = vector.broadcast %shift_right_logical3A_141 : i32 to vector<16xi32>
    %shift_right_logical3A_143 = arith.shrui %get3A_140, %shift_right_logical3A_142 : vector<16xi32>
    %xor3A_144 = arith.xori %get3A_140, %shift_right_logical3A_143 : vector<16xi32>
    %mul3A_145 = arith.constant -2048144789 : i32
    %mul3A_146 = vector.broadcast %mul3A_145 : i32 to vector<16xi32>
    %mul3A_147 = arith.muli %xor3A_144, %mul3A_146 : vector<16xi32>
    %shift_right_logical3A_148 = arith.constant 13 : i32
    %shift_right_logical3A_149 = vector.broadcast %shift_right_logical3A_148 : i32 to vector<16xi32>
    %shift_right_logical3A_150 = arith.shrui %mul3A_147, %shift_right_logical3A_149 : vector<16xi32>
    %xor3A_151 = arith.xori %mul3A_147, %shift_right_logical3A_150 : vector<16xi32>
    %mul3A_152 = arith.constant -1028477387 : i32
    %mul3A_153 = vector.broadcast %mul3A_152 : i32 to vector<16xi32>
    %mul3A_154 = arith.muli %xor3A_151, %mul3A_153 : vector<16xi32>
    %shift_right_logical3A_155 = arith.constant 16 : i32
    %shift_right_logical3A_156 = vector.broadcast %shift_right_logical3A_155 : i32 to vector<16xi32>
    %shift_right_logical3A_157 = arith.shrui %mul3A_154, %shift_right_logical3A_156 : vector<16xi32>
    %xor3A_158 = arith.xori %mul3A_154, %shift_right_logical3A_157 : vector<16xi32>
    %and3A_159 = arith.constant 7 : i32
    %and3A_160 = vector.broadcast %and3A_159 : i32 to vector<16xi32>
    %and3A_161 = arith.andi %xor3A_158, %and3A_160 : vector<16xi32>
    %swap3A_162 = arith.constant 80 : index
    %swap3A_163 = tpu.vector_load %arg5[%swap3A_162] {strides = array<i32>} : memref<256xi32, #tpu.memory_space<vmem>>, vector<16xi32>,
    %swap3A_164 = vector.shape_cast %swap3A_163 : vector<16xi32> to vector<16xi32>
    %swap3A_165 = vector.shape_cast %and3A_161 : vector<16xi32> to vector<16xi32>
    tpu.vector_store %arg5[%swap3A_162], %swap3A_165 {strides = array<i32>} : memref<256xi32, #tpu.memory_space<vmem>>, vector<16xi32>,
    %get3A_166 = arith.constant 96 : index
    %get3A_167 = tpu.vector_load %arg4[%get3A_166] {strides = array<i32>} : memref<256xi32, #tpu.memory_space<vmem>>, vector<16xi32>,
    %get3A_168 = vector.shape_cast %get3A_167 : vector<16xi32> to vector<16xi32>
    %shift_right_logical3A_169 = arith.constant 16 : i32
    %shift_right_logical3A_170 = vector.broadcast %shift_right_logical3A_169 : i32 to vector<16xi32>
    %shift_right_logical3A_171 = arith.shrui %get3A_168, %shift_right_logical3A_170 : vector<16xi32>
    %xor3A_172 = arith.xori %get3A_168, %shift_right_logical3A_171 : vector<16xi32>
    %mul3A_173 = arith.constant -2048144789 : i32
    %mul3A_174 = vector.broadcast %mul3A_173 : i32 to vector<16xi32>
    %mul3A_175 = arith.muli %xor3A_172, %mul3A_174 : vector<16xi32>
    %shift_right_logical3A_176 = arith.constant 13 : i32
    %shift_right_logical3A_177 = vector.broadcast %shift_right_logical3A_176 : i32 to vector<16xi32>
    %shift_right_logical3A_178 = arith.shrui %mul3A_175, %shift_right_logical3A_177 : vector<16xi32>
    %xor3A_179 = arith.xori %mul3A_175, %shift_right_logical3A_178 : vector<16xi32>
    %mul3A_180 = arith.constant -1028477387 : i32
    %mul3A_181 = vector.broadcast %mul3A_180 : i32 to vector<16xi32>
    %mul3A_182 = arith.muli %xor3A_179, %mul3A_181 : vector<16xi32>
    %shift_right_logical3A_183 = arith.constant 16 : i32
    %shift_right_logical3A_184 = vector.broadcast %shift_right_logical3A_183 : i32 to vector<16xi32>
    %shift_right_logical3A_185 = arith.shrui %mul3A_182, %shift_right_logical3A_184 : vector<16xi32>
    %xor3A_186 = arith.xori %mul3A_182, %shift_right_logical3A_185 : vector<16xi32>
    %and3A_187 = arith.constant 7 : i32
    %and3A_188 = vector.broadcast %and3A_187 : i32 to vector<16xi32>
    %and3A_189 = arith.andi %xor3A_186, %and3A_188 : vector<16xi32>
    %swap3A_190 = arith.constant 96 : index
    %swap3A_191 = tpu.vector_load %arg5[%swap3A_190] {strides = array<i32>} : memref<256xi32, #tpu.memory_space<vmem>>, vector<16xi32>,
    %swap3A_192 = vector.shape_cast %swap3A_191 : vector<16xi32> to vector<16xi32>
    %swap3A_193 = vector.shape_cast %and3A_189 : vector<16xi32> to vector<16xi32>
    tpu.vector_store %arg5[%swap3A_190], %swap3A_193 {strides = array<i32>} : memref<256xi32, #tpu.memory_space<vmem>>, vector<16xi32>,
    %get3A_194 = arith.constant 112 : index
    %get3A_195 = tpu.vector_load %arg4[%get3A_194] {strides = array<i32>} : memref<256xi32, #tpu.memory_space<vmem>>, vector<16xi32>,
    %get3A_196 = vector.shape_cast %get3A_195 : vector<16xi32> to vector<16xi32>
    %shift_right_logical3A_197 = arith.constant 16 : i32
    %shift_right_logical3A_198 = vector.broadcast %shift_right_logical3A_197 : i32 to vector<16xi32>
    %shift_right_logical3A_199 = arith.shrui %get3A_196, %shift_right_logical3A_198 : vector<16xi32>
    %xor3A_200 = arith.xori %get3A_196, %shift_right_logical3A_199 : vector<16xi32>
    %mul3A_201 = arith.constant -2048144789 : i32
    %mul3A_202 = vector.broadcast %mul3A_201 : i32 to vector<16xi32>
    %mul3A_203 = arith.muli %xor3A_200, %mul3A_202 : vector<16xi32>
    %shift_right_logical3A_204 = arith.constant 13 : i32
    %shift_right_logical3A_205 = vector.broadcast %shift_right_logical3A_204 : i32 to vector<16xi32>
    %shift_right_logical3A_206 = arith.shrui %mul3A_203, %shift_right_logical3A_205 : vector<16xi32>
    %xor3A_207 = arith.xori %mul3A_203, %shift_right_logical3A_206 : vector<16xi32>
    %mul3A_208 = arith.constant -1028477387 : i32
    %mul3A_209 = vector.broadcast %mul3A_208 : i32 to vector<16xi32>
    %mul3A_210 = arith.muli %xor3A_207, %mul3A_209 : vector<16xi32>
    %shift_right_logical3A_211 = arith.constant 16 : i32
    %shift_right_logical3A_212 = vector.broadcast %shift_right_logical3A_211 : i32 to vector<16xi32>
    %shift_right_logical3A_213 = arith.shrui %mul3A_210, %shift_right_logical3A_212 : vector<16xi32>
    %xor3A_214 = arith.xori %mul3A_210, %shift_right_logical3A_213 : vector<16xi32>
    %and3A_215 = arith.constant 7 : i32
    %and3A_216 = vector.broadcast %and3A_215 : i32 to vector<16xi32>
    %and3A_217 = arith.andi %xor3A_214, %and3A_216 : vector<16xi32>
    %swap3A_218 = arith.constant 112 : index
    %swap3A_219 = tpu.vector_load %arg5[%swap3A_218] {strides = array<i32>} : memref<256xi32, #tpu.memory_space<vmem>>, vector<16xi32>,
    %swap3A_220 = vector.shape_cast %swap3A_219 : vector<16xi32> to vector<16xi32>
    %swap3A_221 = vector.shape_cast %and3A_217 : vector<16xi32> to vector<16xi32>
    tpu.vector_store %arg5[%swap3A_218], %swap3A_221 {strides = array<i32>} : memref<256xi32, #tpu.memory_space<vmem>>, vector<16xi32>,
    %get3A_222 = arith.constant 128 : index
    %get3A_223 = tpu.vector_load %arg4[%get3A_222] {strides = array<i32>} : memref<256xi32, #tpu.memory_space<vmem>>, vector<16xi32>,
    %get3A_224 = vector.shape_cast %get3A_223 : vector<16xi32> to vector<16xi32>
    %shift_right_logical3A_225 = arith.constant 16 : i32
    %shift_right_logical3A_226 = vector.broadcast %shift_right_logical3A_225 : i32 to vector<16xi32>
    %shift_right_logical3A_227 = arith.shrui %get3A_224, %shift_right_logical3A_226 : vector<16xi32>
    %xor3A_228 = arith.xori %get3A_224, %shift_right_logical3A_227 : vector<16xi32>
    %mul3A_229 = arith.constant -2048144789 : i32
    %mul3A_230 = vector.broadcast %mul3A_229 : i32 to vector<16xi32>
    %mul3A_231 = arith.muli %xor3A_228, %mul3A_230 : vector<16xi32>
    %shift_right_logical3A_232 = arith.constant 13 : i32
    %shift_right_logical3A_233 = vector.broadcast %shift_right_logical3A_232 : i32 to vector<16xi32>
    %shift_right_logical3A_234 = arith.shrui %mul3A_231, %shift_right_logical3A_233 : vector<16xi32>
    %xor3A_235 = arith.xori %mul3A_231, %shift_right_logical3A_234 : vector<16xi32>
    %mul3A_236 = arith.constant -1028477387 : i32
    %mul3A_237 = vector.broadcast %mul3A_236 : i32 to vector<16xi32>
    %mul3A_238 = arith.muli %xor3A_235, %mul3A_237 : vector<16xi32>
    %shift_right_logical3A_239 = arith.constant 16 : i32
    %shift_right_logical3A_240 = vector.broadcast %shift_right_logical3A_239 : i32 to vector<16xi32>
    %shift_right_logical3A_241 = arith.shrui %mul3A_238, %shift_right_logical3A_240 : vector<16xi32>
    %xor3A_242 = arith.xori %mul3A_238, %shift_right_logical3A_241 : vector<16xi32>
    %and3A_243 = arith.constant 7 : i32
    %and3A_244 = vector.broadcast %and3A_243 : i32 to vector<16xi32>
    %and3A_245 = arith.andi %xor3A_242, %and3A_244 : vector<16xi32>
    %swap3A_246 = arith.constant 128 : index
    %swap3A_247 = tpu.vector_load %arg5[%swap3A_246] {strides = array<i32>} : memref<256xi32, #tpu.memory_space<vmem>>, vector<16xi32>,
    %swap3A_248 = vector.shape_cast %swap3A_247 : vector<16xi32> to vector<16xi32>
    %swap3A_249 = vector.shape_cast %and3A_245 : vector<16xi32> to vector<16xi32>
    tpu.vector_store %arg5[%swap3A_246], %swap3A_249 {strides = array<i32>} : memref<256xi32, #tpu.memory_space<vmem>>, vector<16xi32>,
    %get3A_250 = arith.constant 144 : index
    %get3A_251 = tpu.vector_load %arg4[%get3A_250] {strides = array<i32>} : memref<256xi32, #tpu.memory_space<vmem>>, vector<16xi32>,
    %get3A_252 = vector.shape_cast %get3A_251 : vector<16xi32> to vector<16xi32>
    %shift_right_logical3A_253 = arith.constant 16 : i32
    %shift_right_logical3A_254 = vector.broadcast %shift_right_logical3A_253 : i32 to vector<16xi32>
    %shift_right_logical3A_255 = arith.shrui %get3A_252, %shift_right_logical3A_254 : vector<16xi32>
    %xor3A_256 = arith.xori %get3A_252, %shift_right_logical3A_255 : vector<16xi32>
    %mul3A_257 = arith.constant -2048144789 : i32
    %mul3A_258 = vector.broadcast %mul3A_257 : i32 to vector<16xi32>
    %mul3A_259 = arith.muli %xor3A_256, %mul3A_258 : vector<16xi32>
    %shift_right_logical3A_260 = arith.constant 13 : i32
    %shift_right_logical3A_261 = vector.broadcast %shift_right_logical3A_260 : i32 to vector<16xi32>
    %shift_right_logical3A_262 = arith.shrui %mul3A_259, %shift_right_logical3A_261 : vector<16xi32>
    %xor3A_263 = arith.xori %mul3A_259, %shift_right_logical3A_262 : vector<16xi32>
    %mul3A_264 = arith.constant -1028477387 : i32
    %mul3A_265 = vector.broadcast %mul3A_264 : i32 to vector<16xi32>
    %mul3A_266 = arith.muli %xor3A_263, %mul3A_265 : vector<16xi32>
    %shift_right_logical3A_267 = arith.constant 16 : i32
    %shift_right_logical3A_268 = vector.broadcast %shift_right_logical3A_267 : i32 to vector<16xi32>
    %shift_right_logical3A_269 = arith.shrui %mul3A_266, %shift_right_logical3A_268 : vector<16xi32>
    %xor3A_270 = arith.xori %mul3A_266, %shift_right_logical3A_269 : vector<16xi32>
    %and3A_271 = arith.constant 7 : i32
    %and3A_272 = vector.broadcast %and3A_271 : i32 to vector<16xi32>
    %and3A_273 = arith.andi %xor3A_270, %and3A_272 : vector<16xi32>
    %swap3A_274 = arith.constant 144 : index
    %swap3A_275 = tpu.vector_load %arg5[%swap3A_274] {strides = array<i32>} : memref<256xi32, #tpu.memory_space<vmem>>, vector<16xi32>,
    %swap3A_276 = vector.shape_cast %swap3A_275 : vector<16xi32> to vector<16xi32>
    %swap3A_277 = vector.shape_cast %and3A_273 : vector<16xi32> to vector<16xi32>
    tpu.vector_store %arg5[%swap3A_274], %swap3A_277 {strides = array<i32>} : memref<256xi32, #tpu.memory_space<vmem>>, vector<16xi32>,
    %get3A_278 = arith.constant 160 : index
    %get3A_279 = tpu.vector_load %arg4[%get3A_278] {strides = array<i32>} : memref<256xi32, #tpu.memory_space<vmem>>, vector<16xi32>,
    %get3A_280 = vector.shape_cast %get3A_279 : vector<16xi32> to vector<16xi32>
    %shift_right_logical3A_281 = arith.constant 16 : i32
    %shift_right_logical3A_282 = vector.broadcast %shift_right_logical3A_281 : i32 to vector<16xi32>
    %shift_right_logical3A_283 = arith.shrui %get3A_280, %shift_right_logical3A_282 : vector<16xi32>
    %xor3A_284 = arith.xori %get3A_280, %shift_right_logical3A_283 : vector<16xi32>
    %mul3A_285 = arith.constant -2048144789 : i32
    %mul3A_286 = vector.broadcast %mul3A_285 : i32 to vector<16xi32>
    %mul3A_287 = arith.muli %xor3A_284, %mul3A_286 : vector<16xi32>
    %shift_right_logical3A_288 = arith.constant 13 : i32
    %shift_right_logical3A_289 = vector.broadcast %shift_right_logical3A_288 : i32 to vector<16xi32>
    %shift_right_logical3A_290 = arith.shrui %mul3A_287, %shift_right_logical3A_289 : vector<16xi32>
    %xor3A_291 = arith.xori %mul3A_287, %shift_right_logical3A_290 : vector<16xi32>
    %mul3A_292 = arith.constant -1028477387 : i32
    %mul3A_293 = vector.broadcast %mul3A_292 : i32 to vector<16xi32>
    %mul3A_294 = arith.muli %xor3A_291, %mul3A_293 : vector<16xi32>
    %shift_right_logical3A_295 = arith.constant 16 : i32
    %shift_right_logical3A_296 = vector.broadcast %shift_right_logical3A_295 : i32 to vector<16xi32>
    %shift_right_logical3A_297 = arith.shrui %mul3A_294, %shift_right_logical3A_296 : vector<16xi32>
    %xor3A_298 = arith.xori %mul3A_294, %shift_right_logical3A_297 : vector<16xi32>
    %and3A_299 = arith.constant 7 : i32
    %and3A_300 = vector.broadcast %and3A_299 : i32 to vector<16xi32>
    %and3A_301 = arith.andi %xor3A_298, %and3A_300 : vector<16xi32>
    %swap3A_302 = arith.constant 160 : index
    %swap3A_303 = tpu.vector_load %arg5[%swap3A_302] {strides = array<i32>} : memref<256xi32, #tpu.memory_space<vmem>>, vector<16xi32>,
    %swap3A_304 = vector.shape_cast %swap3A_303 : vector<16xi32> to vector<16xi32>
    %swap3A_305 = vector.shape_cast %and3A_301 : vector<16xi32> to vector<16xi32>
    tpu.vector_store %arg5[%swap3A_302], %swap3A_305 {strides = array<i32>} : memref<256xi32, #tpu.memory_space<vmem>>, vector<16xi32>,
    %get3A_306 = arith.constant 176 : index
    %get3A_307 = tpu.vector_load %arg4[%get3A_306] {strides = array<i32>} : memref<256xi32, #tpu.memory_space<vmem>>, vector<16xi32>,
    %get3A_308 = vector.shape_cast %get3A_307 : vector<16xi32> to vector<16xi32>
    %shift_right_logical3A_309 = arith.constant 16 : i32
    %shift_right_logical3A_310 = vector.broadcast %shift_right_logical3A_309 : i32 to vector<16xi32>
    %shift_right_logical3A_311 = arith.shrui %get3A_308, %shift_right_logical3A_310 : vector<16xi32>
    %xor3A_312 = arith.xori %get3A_308, %shift_right_logical3A_311 : vector<16xi32>
    %mul3A_313 = arith.constant -2048144789 : i32
    %mul3A_314 = vector.broadcast %mul3A_313 : i32 to vector<16xi32>
    %mul3A_315 = arith.muli %xor3A_312, %mul3A_314 : vector<16xi32>
    %shift_right_logical3A_316 = arith.constant 13 : i32
    %shift_right_logical3A_317 = vector.broadcast %shift_right_logical3A_316 : i32 to vector<16xi32>
    %shift_right_logical3A_318 = arith.shrui %mul3A_315, %shift_right_logical3A_317 : vector<16xi32>
    %xor3A_319 = arith.xori %mul3A_315, %shift_right_logical3A_318 : vector<16xi32>
    %mul3A_320 = arith.constant -1028477387 : i32
    %mul3A_321 = vector.broadcast %mul3A_320 : i32 to vector<16xi32>
    %mul3A_322 = arith.muli %xor3A_319, %mul3A_321 : vector<16xi32>
    %shift_right_logical3A_323 = arith.constant 16 : i32
    %shift_right_logical3A_324 = vector.broadcast %shift_right_logical3A_323 : i32 to vector<16xi32>
    %shift_right_logical3A_325 = arith.shrui %mul3A_322, %shift_right_logical3A_324 : vector<16xi32>
    %xor3A_326 = arith.xori %mul3A_322, %shift_right_logical3A_325 : vector<16xi32>
    %and3A_327 = arith.constant 7 : i32
    %and3A_328 = vector.broadcast %and3A_327 : i32 to vector<16xi32>
    %and3A_329 = arith.andi %xor3A_326, %and3A_328 : vector<16xi32>
    %swap3A_330 = arith.constant 176 : index
    %swap3A_331 = tpu.vector_load %arg5[%swap3A_330] {strides = array<i32>} : memref<256xi32, #tpu.memory_space<vmem>>, vector<16xi32>,
    %swap3A_332 = vector.shape_cast %swap3A_331 : vector<16xi32> to vector<16xi32>
    %swap3A_333 = vector.shape_cast %and3A_329 : vector<16xi32> to vector<16xi32>
    tpu.vector_store %arg5[%swap3A_330], %swap3A_333 {strides = array<i32>} : memref<256xi32, #tpu.memory_space<vmem>>, vector<16xi32>,
    %get3A_334 = arith.constant 192 : index
    %get3A_335 = tpu.vector_load %arg4[%get3A_334] {strides = array<i32>} : memref<256xi32, #tpu.memory_space<vmem>>, vector<16xi32>,
    %get3A_336 = vector.shape_cast %get3A_335 : vector<16xi32> to vector<16xi32>
    %shift_right_logical3A_337 = arith.constant 16 : i32
    %shift_right_logical3A_338 = vector.broadcast %shift_right_logical3A_337 : i32 to vector<16xi32>
    %shift_right_logical3A_339 = arith.shrui %get3A_336, %shift_right_logical3A_338 : vector<16xi32>
    %xor3A_340 = arith.xori %get3A_336, %shift_right_logical3A_339 : vector<16xi32>
    %mul3A_341 = arith.constant -2048144789 : i32
    %mul3A_342 = vector.broadcast %mul3A_341 : i32 to vector<16xi32>
    %mul3A_343 = arith.muli %xor3A_340, %mul3A_342 : vector<16xi32>
    %shift_right_logical3A_344 = arith.constant 13 : i32
    %shift_right_logical3A_345 = vector.broadcast %shift_right_logical3A_344 : i32 to vector<16xi32>
    %shift_right_logical3A_346 = arith.shrui %mul3A_343, %shift_right_logical3A_345 : vector<16xi32>
    %xor3A_347 = arith.xori %mul3A_343, %shift_right_logical3A_346 : vector<16xi32>
    %mul3A_348 = arith.constant -1028477387 : i32
    %mul3A_349 = vector.broadcast %mul3A_348 : i32 to vector<16xi32>
    %mul3A_350 = arith.muli %xor3A_347, %mul3A_349 : vector<16xi32>
    %shift_right_logical3A_351 = arith.constant 16 : i32
    %shift_right_logical3A_352 = vector.broadcast %shift_right_logical3A_351 : i32 to vector<16xi32>
    %shift_right_logical3A_353 = arith.shrui %mul3A_350, %shift_right_logical3A_352 : vector<16xi32>
    %xor3A_354 = arith.xori %mul3A_350, %shift_right_logical3A_353 : vector<16xi32>
    %and3A_355 = arith.constant 7 : i32
    %and3A_356 = vector.broadcast %and3A_355 : i32 to vector<16xi32>
    %and3A_357 = arith.andi %xor3A_354, %and3A_356 : vector<16xi32>
    %swap3A_358 = arith.constant 192 : index
    %swap3A_359 = tpu.vector_load %arg5[%swap3A_358] {strides = array<i32>} : memref<256xi32, #tpu.memory_space<vmem>>, vector<16xi32>,
    %swap3A_360 = vector.shape_cast %swap3A_359 : vector<16xi32> to vector<16xi32>
    %swap3A_361 = vector.shape_cast %and3A_357 : vector<16xi32> to vector<16xi32>
    tpu.vector_store %arg5[%swap3A_358], %swap3A_361 {strides = array<i32>} : memref<256xi32, #tpu.memory_space<vmem>>, vector<16xi32>,
    %get3A_362 = arith.constant 208 : index
    %get3A_363 = tpu.vector_load %arg4[%get3A_362] {strides = array<i32>} : memref<256xi32, #tpu.memory_space<vmem>>, vector<16xi32>,
    %get3A_364 = vector.shape_cast %get3A_363 : vector<16xi32> to vector<16xi32>
    %shift_right_logical3A_365 = arith.constant 16 : i32
    %shift_right_logical3A_366 = vector.broadcast %shift_right_logical3A_365 : i32 to vector<16xi32>
    %shift_right_logical3A_367 = arith.shrui %get3A_364, %shift_right_logical3A_366 : vector<16xi32>
    %xor3A_368 = arith.xori %get3A_364, %shift_right_logical3A_367 : vector<16xi32>
    %mul3A_369 = arith.constant -2048144789 : i32
    %mul3A_370 = vector.broadcast %mul3A_369 : i32 to vector<16xi32>
    %mul3A_371 = arith.muli %xor3A_368, %mul3A_370 : vector<16xi32>
    %shift_right_logical3A_372 = arith.constant 13 : i32
    %shift_right_logical3A_373 = vector.broadcast %shift_right_logical3A_372 : i32 to vector<16xi32>
    %shift_right_logical3A_374 = arith.shrui %mul3A_371, %shift_right_logical3A_373 : vector<16xi32>
    %xor3A_375 = arith.xori %mul3A_371, %shift_right_logical3A_374 : vector<16xi32>
    %mul3A_376 = arith.constant -1028477387 : i32
    %mul3A_377 = vector.broadcast %mul3A_376 : i32 to vector<16xi32>
    %mul3A_378 = arith.muli %xor3A_375, %mul3A_377 : vector<16xi32>
    %shift_right_logical3A_379 = arith.constant 16 : i32
    %shift_right_logical3A_380 = vector.broadcast %shift_right_logical3A_379 : i32 to vector<16xi32>
    %shift_right_logical3A_381 = arith.shrui %mul3A_378, %shift_right_logical3A_380 : vector<16xi32>
    %xor3A_382 = arith.xori %mul3A_378, %shift_right_logical3A_381 : vector<16xi32>
    %and3A_383 = arith.constant 7 : i32
    %and3A_384 = vector.broadcast %and3A_383 : i32 to vector<16xi32>
    %and3A_385 = arith.andi %xor3A_382, %and3A_384 : vector<16xi32>
    %swap3A_386 = arith.constant 208 : index
    %swap3A_387 = tpu.vector_load %arg5[%swap3A_386] {strides = array<i32>} : memref<256xi32, #tpu.memory_space<vmem>>, vector<16xi32>,
    %swap3A_388 = vector.shape_cast %swap3A_387 : vector<16xi32> to vector<16xi32>
    %swap3A_389 = vector.shape_cast %and3A_385 : vector<16xi32> to vector<16xi32>
    tpu.vector_store %arg5[%swap3A_386], %swap3A_389 {strides = array<i32>} : memref<256xi32, #tpu.memory_space<vmem>>, vector<16xi32>,
    %get3A_390 = arith.constant 224 : index
    %get3A_391 = tpu.vector_load %arg4[%get3A_390] {strides = array<i32>} : memref<256xi32, #tpu.memory_space<vmem>>, vector<16xi32>,
    %get3A_392 = vector.shape_cast %get3A_391 : vector<16xi32> to vector<16xi32>
    %shift_right_logical3A_393 = arith.constant 16 : i32
    %shift_right_logical3A_394 = vector.broadcast %shift_right_logical3A_393 : i32 to vector<16xi32>
    %shift_right_logical3A_395 = arith.shrui %get3A_392, %shift_right_logical3A_394 : vector<16xi32>
    %xor3A_396 = arith.xori %get3A_392, %shift_right_logical3A_395 : vector<16xi32>
    %mul3A_397 = arith.constant -2048144789 : i32
    %mul3A_398 = vector.broadcast %mul3A_397 : i32 to vector<16xi32>
    %mul3A_399 = arith.muli %xor3A_396, %mul3A_398 : vector<16xi32>
    %shift_right_logical3A_400 = arith.constant 13 : i32
    %shift_right_logical3A_401 = vector.broadcast %shift_right_logical3A_400 : i32 to vector<16xi32>
    %shift_right_logical3A_402 = arith.shrui %mul3A_399, %shift_right_logical3A_401 : vector<16xi32>
    %xor3A_403 = arith.xori %mul3A_399, %shift_right_logical3A_402 : vector<16xi32>
    %mul3A_404 = arith.constant -1028477387 : i32
    %mul3A_405 = vector.broadcast %mul3A_404 : i32 to vector<16xi32>
    %mul3A_406 = arith.muli %xor3A_403, %mul3A_405 : vector<16xi32>
    %shift_right_logical3A_407 = arith.constant 16 : i32
    %shift_right_logical3A_408 = vector.broadcast %shift_right_logical3A_407 : i32 to vector<16xi32>
    %shift_right_logical3A_409 = arith.shrui %mul3A_406, %shift_right_logical3A_408 : vector<16xi32>
    %xor3A_410 = arith.xori %mul3A_406, %shift_right_logical3A_409 : vector<16xi32>
    %and3A_411 = arith.constant 7 : i32
    %and3A_412 = vector.broadcast %and3A_411 : i32 to vector<16xi32>
    %and3A_413 = arith.andi %xor3A_410, %and3A_412 : vector<16xi32>
    %swap3A_414 = arith.constant 224 : index
    %swap3A_415 = tpu.vector_load %arg5[%swap3A_414] {strides = array<i32>} : memref<256xi32, #tpu.memory_space<vmem>>, vector<16xi32>,
    %swap3A_416 = vector.shape_cast %swap3A_415 : vector<16xi32> to vector<16xi32>
    %swap3A_417 = vector.shape_cast %and3A_413 : vector<16xi32> to vector<16xi32>
    tpu.vector_store %arg5[%swap3A_414], %swap3A_417 {strides = array<i32>} : memref<256xi32, #tpu.memory_space<vmem>>, vector<16xi32>,
    %get3A_418 = arith.constant 240 : index
    %get3A_419 = tpu.vector_load %arg4[%get3A_418] {strides = array<i32>} : memref<256xi32, #tpu.memory_space<vmem>>, vector<16xi32>,
    %get3A_420 = vector.shape_cast %get3A_419 : vector<16xi32> to vector<16xi32>
    %shift_right_logical3A_421 = arith.constant 16 : i32
    %shift_right_logical3A_422 = vector.broadcast %shift_right_logical3A_421 : i32 to vector<16xi32>
    %shift_right_logical3A_423 = arith.shrui %get3A_420, %shift_right_logical3A_422 : vector<16xi32>
    %xor3A_424 = arith.xori %get3A_420, %shift_right_logical3A_423 : vector<16xi32>
    %mul3A_425 = arith.constant -2048144789 : i32
    %mul3A_426 = vector.broadcast %mul3A_425 : i32 to vector<16xi32>
    %mul3A_427 = arith.muli %xor3A_424, %mul3A_426 : vector<16xi32>
    %shift_right_logical3A_428 = arith.constant 13 : i32
    %shift_right_logical3A_429 = vector.broadcast %shift_right_logical3A_428 : i32 to vector<16xi32>
    %shift_right_logical3A_430 = arith.shrui %mul3A_427, %shift_right_logical3A_429 : vector<16xi32>
    %xor3A_431 = arith.xori %mul3A_427, %shift_right_logical3A_430 : vector<16xi32>
    %mul3A_432 = arith.constant -1028477387 : i32
    %mul3A_433 = vector.broadcast %mul3A_432 : i32 to vector<16xi32>
    %mul3A_434 = arith.muli %xor3A_431, %mul3A_433 : vector<16xi32>
    %shift_right_logical3A_435 = arith.constant 16 : i32
    %shift_right_logical3A_436 = vector.broadcast %shift_right_logical3A_435 : i32 to vector<16xi32>
    %shift_right_logical3A_437 = arith.shrui %mul3A_434, %shift_right_logical3A_436 : vector<16xi32>
    %xor3A_438 = arith.xori %mul3A_434, %shift_right_logical3A_437 : vector<16xi32>
    %and3A_439 = arith.constant 7 : i32
    %and3A_440 = vector.broadcast %and3A_439 : i32 to vector<16xi32>
    %and3A_441 = arith.andi %xor3A_438, %and3A_440 : vector<16xi32>
    %swap3A_442 = arith.constant 240 : index
    %swap3A_443 = tpu.vector_load %arg5[%swap3A_442] {strides = array<i32>} : memref<256xi32, #tpu.memory_space<vmem>>, vector<16xi32>,
    %swap3A_444 = vector.shape_cast %swap3A_443 : vector<16xi32> to vector<16xi32>
    %swap3A_445 = vector.shape_cast %and3A_441 : vector<16xi32> to vector<16xi32>
    tpu.vector_store %arg5[%swap3A_442], %swap3A_445 {strides = array<i32>} : memref<256xi32, #tpu.memory_space<vmem>>, vector<16xi32>,
    "tpu.region"() ({
      %run_scoped3A = tpu.sem_alloc : memref<!tpu.dma_semaphore, #tpu.memory_space<semaphore_mem>>
      %dma_start3A = tpu.memref_slice %arg3[%mul3A_2] : memref<8192xi32, #tpu.memory_space<hbm>> -> memref<256xi32, #tpu.memory_space<hbm>>
      %dma_start3A_446 = tpu.memref_slice %arg3[%mul3A_2] : memref<8192xi32, #tpu.memory_space<hbm>> -> memref<256xi32, #tpu.memory_space<hbm>>
      tpu.enqueue_dma source(%arg5 : memref<256xi32, #tpu.memory_space<vmem>>) target(%dma_start3A_446 : memref<256xi32, #tpu.memory_space<hbm>>) target_semaphore(%run_scoped3A : memref<!tpu.dma_semaphore, #tpu.memory_space<semaphore_mem>>)
      %dma_wait3A = tpu.memref_slice %arg3[%mul3A_2] : memref<8192xi32, #tpu.memory_space<hbm>> -> memref<256xi32, #tpu.memory_space<hbm>>
      %dma_wait3A_447 = tpu.memref_slice %arg3[%mul3A_2] : memref<8192xi32, #tpu.memory_space<hbm>> -> memref<256xi32, #tpu.memory_space<hbm>>
      tpu.wait_dma2 semaphore(%run_scoped3A : memref<!tpu.dma_semaphore, #tpu.memory_space<semaphore_mem>>) src(%arg5 : memref<256xi32, #tpu.memory_space<vmem>>) dst(%dma_wait3A_447 : memref<256xi32, #tpu.memory_space<hbm>>)
      tpu.yield
    }) : () -> ()
    return
  }
}

module attributes {stable_mosaic.version = 14 : i64} {
  func.func @_ssm_body(%arg0: i32, %arg1: memref<1x512x1xi32, #tpu.memory_space<vmem>>, %arg2: memref<4x128x1024xf32, #tpu.memory_space<vmem>>, %arg3: memref<1024x1024xf32, #tpu.memory_space<vmem>>, %arg4: memref<2048x1024xf32, #tpu.memory_space<vmem>>, %arg5: memref<512x2048xf32, #tpu.memory_space<vmem>>, %arg6: memref<1024x1024xf32, #tpu.memory_space<vmem>>, %arg7: memref<8x128xf32, #tpu.memory_space<vmem>>, %arg8: memref<4x128x1024xf32, #tpu.memory_space<vmem>>, %arg9: memref<4x1024xf32, #tpu.memory_space<vmem>>) attributes {dimension_semantics = [#tpu.dimension_semantics<arbitrary>], iteration_bounds = array<i64: 16>, scalar_prefetch = 0 : i64, scratch_operands = 1 : i64, tpu.core_type = #tpu.core_type<tc>, window_params = [{transform_indices = @transform_0, window_bounds = array<i64: 1, 512, 1>}, {transform_indices = @transform_1, window_bounds = array<i64: 4, 128, 1024>}, {pipeline_mode = #tpu.pipeline_mode<synchronous>, transform_indices = @transform_2, window_bounds = array<i64: 1024, 1024>}, {pipeline_mode = #tpu.pipeline_mode<synchronous>, transform_indices = @transform_3, window_bounds = array<i64: 2048, 1024>}, {pipeline_mode = #tpu.pipeline_mode<synchronous>, transform_indices = @transform_4, window_bounds = array<i64: 512, 2048>}, {pipeline_mode = #tpu.pipeline_mode<synchronous>, transform_indices = @transform_5, window_bounds = array<i64: 1024, 1024>}, {pipeline_mode = #tpu.pipeline_mode<synchronous>, transform_indices = @transform_6, window_bounds = array<i64: 8, 128>}, {transform_indices = @transform_7, window_bounds = array<i64: 4, 128, 1024>}]} {
    %eq3A = arith.constant 0 : i32
    %eq3A_0 = arith.cmpi eq, %arg0, %eq3A : i32
    %convert_element_type3A = arith.extui %eq3A_0 : i1 to i32
    %cond3A = arith.constant 0 : i32
    %cond3A_1 = arith.cmpi ne, %convert_element_type3A, %cond3A : i32
    scf.if %cond3A_1 {
      %broadcast_in_dim3A_645 = arith.constant 0.000000e+00 : f32
      %broadcast_in_dim3A_646 = vector.broadcast %broadcast_in_dim3A_645 : f32 to vector<4x1024xf32>
      %swap3A_647 = arith.constant 0 : index
      %swap3A_648 = arith.constant 0 : index
      %swap3A_649 = vector.load %arg9[%swap3A_647, %swap3A_648] : memref<4x1024xf32, #tpu.memory_space<vmem>>, vector<4x1024xf32>
      tpu.vector_store %arg9[%swap3A_647, %swap3A_648], %broadcast_in_dim3A_646 {strides = array<i32>} : memref<4x1024xf32, #tpu.memory_space<vmem>>, vector<4x1024xf32>,
    } else {
    }
    %get3A = arith.constant 0 : index
    %get3A_2 = arith.constant 0 : index
    %get3A_3 = arith.constant 0 : index
    %get3A_4 = vector.load %arg1[%get3A, %get3A_2, %get3A_3] : memref<1x512x1xi32, #tpu.memory_space<vmem>>, vector<1x512x1xi32>
    %get3A_5 = vector.shape_cast %get3A_4 : vector<1x512x1xi32> to vector<512x1xi32>
    %get3A_6 = arith.constant 0 : index
    %get3A_7 = arith.constant 0 : index
    %get3A_8 = arith.constant 0 : index
    %get3A_9 = vector.load %arg2[%get3A_6, %get3A_7, %get3A_8] : memref<4x128x1024xf32, #tpu.memory_space<vmem>>, vector<4x128x1024xf32>
    %reshape3A = vector.shape_cast %get3A_9 : vector<4x128x1024xf32> to vector<512x1024xf32>
    %get3A_10 = arith.constant 0 : index
    %get3A_11 = arith.constant 0 : index
    %get3A_12 = vector.load %arg3[%get3A_10, %get3A_11] : memref<1024x1024xf32, #tpu.memory_space<vmem>>, vector<1024x1024xf32>
    %dot_general3A = arith.constant dense<0.000000e+00> : vector<512x1024xf32>
    %dot_general3A_13 = tpu.matmul %reshape3A, %get3A_12, %dot_general3A {dimension_numbers = #tpu.dot_dimension_numbers<[1], [1], [0], [0], [0, 0, 1, 0], [], []>, transpose_lhs_hint = false} : vector<512x1024xf32>, vector<1024x1024xf32>, vector<512x1024xf32> -> vector<512x1024xf32>
    %get3A_14 = arith.constant 0 : index
    %get3A_15 = arith.constant 0 : index
    %get3A_16 = vector.load %arg4[%get3A_14, %get3A_15] : memref<2048x1024xf32, #tpu.memory_space<vmem>>, vector<2048x1024xf32>
    %dot_general3A_17 = arith.constant dense<0.000000e+00> : vector<512x2048xf32>
    %dot_general3A_18 = tpu.matmul %reshape3A, %get3A_16, %dot_general3A_17 {dimension_numbers = #tpu.dot_dimension_numbers<[1], [1], [0], [0], [0, 0, 1, 0], [], []>, transpose_lhs_hint = false} : vector<512x1024xf32>, vector<2048x1024xf32>, vector<512x2048xf32> -> vector<512x2048xf32>
    %logistic3A = arith.negf %dot_general3A_18 : vector<512x2048xf32>
    %logistic3A_19 = math.exp %logistic3A : vector<512x2048xf32>
    %logistic3A_20 = arith.constant 1.000000e+00 : f32
    %logistic3A_21 = vector.broadcast %logistic3A_20 : f32 to vector<512x2048xf32>
    %logistic3A_22 = arith.addf %logistic3A_21, %logistic3A_19 : vector<512x2048xf32>
    %logistic3A_23 = arith.divf %logistic3A_21, %logistic3A_22 : vector<512x2048xf32>
    %mul3A = arith.mulf %dot_general3A_18, %logistic3A_23 : vector<512x2048xf32>
    %iota3A = tpu.iota {dimensions = array<i32: 1>} : vector<512x2048xi32>
    %jit3A = arith.constant 256 : i64
    %convert_element_type3A_24 = arith.trunci %jit3A : i64 to i32
    %div3A = vector.broadcast %convert_element_type3A_24 : i32 to vector<512x2048xi32>
    %div3A_25 = arith.divsi %iota3A, %div3A : vector<512x2048xi32>
    %sign3A = arith.constant 0 : i32
    %sign3A_26 = vector.broadcast %sign3A : i32 to vector<512x2048xi32>
    %sign3A_27 = arith.cmpi sgt, %iota3A, %sign3A_26 : vector<512x2048xi32>
    %sign3A_28 = arith.extui %sign3A_27 : vector<512x2048xi1> to vector<512x2048xi32>
    %sign3A_29 = arith.constant 0 : i32
    %sign3A_30 = vector.broadcast %sign3A_29 : i32 to vector<512x2048xi32>
    %sign3A_31 = arith.cmpi slt, %iota3A, %sign3A_30 : vector<512x2048xi32>
    %sign3A_32 = arith.extui %sign3A_31 : vector<512x2048xi1> to vector<512x2048xi32>
    %sign3A_33 = arith.subi %sign3A_28, %sign3A_32 : vector<512x2048xi32>
    %sign3A_34 = arith.constant 0 : i32
    %sign3A_35 = arith.cmpi sgt, %convert_element_type3A_24, %sign3A_34 : i32
    %sign3A_36 = arith.extui %sign3A_35 : i1 to i32
    %sign3A_37 = arith.constant 0 : i32
    %sign3A_38 = arith.cmpi slt, %convert_element_type3A_24, %sign3A_37 : i32
    %sign3A_39 = arith.extui %sign3A_38 : i1 to i32
    %sign3A_40 = arith.subi %sign3A_36, %sign3A_39 : i32
    %ne3A = vector.broadcast %sign3A_40 : i32 to vector<512x2048xi32>
    %ne3A_41 = arith.cmpi ne, %sign3A_33, %ne3A : vector<512x2048xi32>
    %rem3A = vector.broadcast %convert_element_type3A_24 : i32 to vector<512x2048xi32>
    %rem3A_42 = arith.remsi %iota3A, %rem3A : vector<512x2048xi32>
    %ne3A_43 = arith.constant 0 : i32
    %ne3A_44 = vector.broadcast %ne3A_43 : i32 to vector<512x2048xi32>
    %ne3A_45 = arith.cmpi ne, %rem3A_42, %ne3A_44 : vector<512x2048xi32>
    %and3A = arith.andi %ne3A_41, %ne3A_45 : vector<512x2048xi1>
    %sub3A = arith.constant 1 : i32
    %sub3A_46 = vector.broadcast %sub3A : i32 to vector<512x2048xi32>
    %sub3A_47 = arith.subi %div3A_25, %sub3A_46 : vector<512x2048xi32>
    %select_n3A = arith.select %and3A, %sub3A_47, %div3A_25 : vector<512x2048xi1>, vector<512x2048xi32>
    %eq3A_48 = vector.broadcast %get3A_5 : vector<512x1xi32> to vector<512x2048xi32>
    %eq3A_49 = arith.cmpi eq, %select_n3A, %eq3A_48 : vector<512x2048xi32>
    %jit3A_50 = arith.constant 0.000000e+00 : f64
    %convert_element_type3A_51 = arith.truncf %jit3A_50 : f64 to f32
    %broadcast_in_dim3A = vector.broadcast %convert_element_type3A_51 : f32 to vector<512x2048xf32>
    %select_n3A_52 = arith.select %eq3A_49, %mul3A, %broadcast_in_dim3A : vector<512x2048xi1>, vector<512x2048xf32>
    %get3A_53 = arith.constant 0 : index
    %get3A_54 = arith.constant 0 : index
    %get3A_55 = vector.load %arg5[%get3A_53, %get3A_54] : memref<512x2048xf32, #tpu.memory_space<vmem>>, vector<512x2048xf32>
    %dot_general3A_56 = arith.constant dense<0.000000e+00> : vector<512x512xf32>
    %dot_general3A_57 = tpu.matmul %select_n3A_52, %get3A_55, %dot_general3A_56 {dimension_numbers = #tpu.dot_dimension_numbers<[1], [1], [0], [0], [0, 0, 1, 0], [], []>, transpose_lhs_hint = false} : vector<512x2048xf32>, vector<512x2048xf32>, vector<512x512xf32> -> vector<512x512xf32>
    %iota3A_58 = tpu.iota {dimensions = array<i32: 1>} : vector<512x1024xi32>
    %jit3A_59 = arith.constant 128 : i64
    %convert_element_type3A_60 = arith.trunci %jit3A_59 : i64 to i32
    %div3A_61 = vector.broadcast %convert_element_type3A_60 : i32 to vector<512x1024xi32>
    %div3A_62 = arith.divsi %iota3A_58, %div3A_61 : vector<512x1024xi32>
    %sign3A_63 = arith.constant 0 : i32
    %sign3A_64 = vector.broadcast %sign3A_63 : i32 to vector<512x1024xi32>
    %sign3A_65 = arith.cmpi sgt, %iota3A_58, %sign3A_64 : vector<512x1024xi32>
    %sign3A_66 = arith.extui %sign3A_65 : vector<512x1024xi1> to vector<512x1024xi32>
    %sign3A_67 = arith.constant 0 : i32
    %sign3A_68 = vector.broadcast %sign3A_67 : i32 to vector<512x1024xi32>
    %sign3A_69 = arith.cmpi slt, %iota3A_58, %sign3A_68 : vector<512x1024xi32>
    %sign3A_70 = arith.extui %sign3A_69 : vector<512x1024xi1> to vector<512x1024xi32>
    %sign3A_71 = arith.subi %sign3A_66, %sign3A_70 : vector<512x1024xi32>
    %sign3A_72 = arith.constant 0 : i32
    %sign3A_73 = arith.cmpi sgt, %convert_element_type3A_60, %sign3A_72 : i32
    %sign3A_74 = arith.extui %sign3A_73 : i1 to i32
    %sign3A_75 = arith.constant 0 : i32
    %sign3A_76 = arith.cmpi slt, %convert_element_type3A_60, %sign3A_75 : i32
    %sign3A_77 = arith.extui %sign3A_76 : i1 to i32
    %sign3A_78 = arith.subi %sign3A_74, %sign3A_77 : i32
    %ne3A_79 = vector.broadcast %sign3A_78 : i32 to vector<512x1024xi32>
    %ne3A_80 = arith.cmpi ne, %sign3A_71, %ne3A_79 : vector<512x1024xi32>
    %rem3A_81 = vector.broadcast %convert_element_type3A_60 : i32 to vector<512x1024xi32>
    %rem3A_82 = arith.remsi %iota3A_58, %rem3A_81 : vector<512x1024xi32>
    %ne3A_83 = arith.constant 0 : i32
    %ne3A_84 = vector.broadcast %ne3A_83 : i32 to vector<512x1024xi32>
    %ne3A_85 = arith.cmpi ne, %rem3A_82, %ne3A_84 : vector<512x1024xi32>
    %and3A_86 = arith.andi %ne3A_80, %ne3A_85 : vector<512x1024xi1>
    %sub3A_87 = arith.constant 1 : i32
    %sub3A_88 = vector.broadcast %sub3A_87 : i32 to vector<512x1024xi32>
    %sub3A_89 = arith.subi %div3A_62, %sub3A_88 : vector<512x1024xi32>
    %select_n3A_90 = arith.select %and3A_86, %sub3A_89, %div3A_62 : vector<512x1024xi1>, vector<512x1024xi32>
    %eq3A_91 = vector.broadcast %get3A_5 : vector<512x1xi32> to vector<512x1024xi32>
    %eq3A_92 = arith.cmpi eq, %select_n3A_90, %eq3A_91 : vector<512x1024xi32>
    %broadcast_in_dim3A_93 = arith.constant 0.000000e+00 : f32
    %broadcast_in_dim3A_94 = vector.broadcast %broadcast_in_dim3A_93 : f32 to vector<512x128xf32>
    %eq3A_95 = arith.constant 0 : i32
    %eq3A_96 = vector.broadcast %eq3A_95 : i32 to vector<512x1xi32>
    %eq3A_97 = arith.cmpi eq, %get3A_5, %eq3A_96 : vector<512x1xi32>
    %slice3A = vector.extract_strided_slice %dot_general3A_13 {offsets = [0, 0], sizes = [512, 128], strides = [1, 1]} : vector<512x1024xf32> to vector<512x128xf32>
    %jit3A_98 = arith.constant 0.000000e+00 : f64
    %convert_element_type3A_99 = arith.truncf %jit3A_98 : f64 to f32
    %broadcast_in_dim3A_100 = vector.shape_cast %eq3A_97 : vector<512x1xi1> to vector<512x1xi1>
    %broadcast_in_dim3A_101 = vector.broadcast %broadcast_in_dim3A_100 : vector<512x1xi1> to vector<512x128xi1>
    %broadcast_in_dim3A_102 = vector.broadcast %convert_element_type3A_99 : f32 to vector<512x128xf32>
    %select_n3A_103 = arith.select %broadcast_in_dim3A_101, %slice3A, %broadcast_in_dim3A_102 : vector<512x128xi1>, vector<512x128xf32>
    %add3A = arith.addf %broadcast_in_dim3A_94, %select_n3A_103 : vector<512x128xf32>
    %eq3A_104 = arith.constant 1 : i32
    %eq3A_105 = vector.broadcast %eq3A_104 : i32 to vector<512x1xi32>
    %eq3A_106 = arith.cmpi eq, %get3A_5, %eq3A_105 : vector<512x1xi32>
    %slice3A_107 = vector.extract_strided_slice %dot_general3A_13 {offsets = [0, 128], sizes = [512, 128], strides = [1, 1]} : vector<512x1024xf32> to vector<512x128xf32>
    %jit3A_108 = arith.constant 0.000000e+00 : f64
    %convert_element_type3A_109 = arith.truncf %jit3A_108 : f64 to f32
    %broadcast_in_dim3A_110 = vector.shape_cast %eq3A_106 : vector<512x1xi1> to vector<512x1xi1>
    %broadcast_in_dim3A_111 = vector.broadcast %broadcast_in_dim3A_110 : vector<512x1xi1> to vector<512x128xi1>
    %broadcast_in_dim3A_112 = vector.broadcast %convert_element_type3A_109 : f32 to vector<512x128xf32>
    %select_n3A_113 = arith.select %broadcast_in_dim3A_111, %slice3A_107, %broadcast_in_dim3A_112 : vector<512x128xi1>, vector<512x128xf32>
    %add3A_114 = arith.addf %add3A, %select_n3A_113 : vector<512x128xf32>
    %eq3A_115 = arith.constant 2 : i32
    %eq3A_116 = vector.broadcast %eq3A_115 : i32 to vector<512x1xi32>
    %eq3A_117 = arith.cmpi eq, %get3A_5, %eq3A_116 : vector<512x1xi32>
    %slice3A_118 = vector.extract_strided_slice %dot_general3A_13 {offsets = [0, 256], sizes = [512, 128], strides = [1, 1]} : vector<512x1024xf32> to vector<512x128xf32>
    %jit3A_119 = arith.constant 0.000000e+00 : f64
    %convert_element_type3A_120 = arith.truncf %jit3A_119 : f64 to f32
    %broadcast_in_dim3A_121 = vector.shape_cast %eq3A_117 : vector<512x1xi1> to vector<512x1xi1>
    %broadcast_in_dim3A_122 = vector.broadcast %broadcast_in_dim3A_121 : vector<512x1xi1> to vector<512x128xi1>
    %broadcast_in_dim3A_123 = vector.broadcast %convert_element_type3A_120 : f32 to vector<512x128xf32>
    %select_n3A_124 = arith.select %broadcast_in_dim3A_122, %slice3A_118, %broadcast_in_dim3A_123 : vector<512x128xi1>, vector<512x128xf32>
    %add3A_125 = arith.addf %add3A_114, %select_n3A_124 : vector<512x128xf32>
    %eq3A_126 = arith.constant 3 : i32
    %eq3A_127 = vector.broadcast %eq3A_126 : i32 to vector<512x1xi32>
    %eq3A_128 = arith.cmpi eq, %get3A_5, %eq3A_127 : vector<512x1xi32>
    %slice3A_129 = vector.extract_strided_slice %dot_general3A_13 {offsets = [0, 384], sizes = [512, 128], strides = [1, 1]} : vector<512x1024xf32> to vector<512x128xf32>
    %jit3A_130 = arith.constant 0.000000e+00 : f64
    %convert_element_type3A_131 = arith.truncf %jit3A_130 : f64 to f32
    %broadcast_in_dim3A_132 = vector.shape_cast %eq3A_128 : vector<512x1xi1> to vector<512x1xi1>
    %broadcast_in_dim3A_133 = vector.broadcast %broadcast_in_dim3A_132 : vector<512x1xi1> to vector<512x128xi1>
    %broadcast_in_dim3A_134 = vector.broadcast %convert_element_type3A_131 : f32 to vector<512x128xf32>
    %select_n3A_135 = arith.select %broadcast_in_dim3A_133, %slice3A_129, %broadcast_in_dim3A_134 : vector<512x128xi1>, vector<512x128xf32>
    %add3A_136 = arith.addf %add3A_125, %select_n3A_135 : vector<512x128xf32>
    %eq3A_137 = arith.constant 4 : i32
    %eq3A_138 = vector.broadcast %eq3A_137 : i32 to vector<512x1xi32>
    %eq3A_139 = arith.cmpi eq, %get3A_5, %eq3A_138 : vector<512x1xi32>
    %slice3A_140 = vector.extract_strided_slice %dot_general3A_13 {offsets = [0, 512], sizes = [512, 128], strides = [1, 1]} : vector<512x1024xf32> to vector<512x128xf32>
    %jit3A_141 = arith.constant 0.000000e+00 : f64
    %convert_element_type3A_142 = arith.truncf %jit3A_141 : f64 to f32
    %broadcast_in_dim3A_143 = vector.shape_cast %eq3A_139 : vector<512x1xi1> to vector<512x1xi1>
    %broadcast_in_dim3A_144 = vector.broadcast %broadcast_in_dim3A_143 : vector<512x1xi1> to vector<512x128xi1>
    %broadcast_in_dim3A_145 = vector.broadcast %convert_element_type3A_142 : f32 to vector<512x128xf32>
    %select_n3A_146 = arith.select %broadcast_in_dim3A_144, %slice3A_140, %broadcast_in_dim3A_145 : vector<512x128xi1>, vector<512x128xf32>
    %add3A_147 = arith.addf %add3A_136, %select_n3A_146 : vector<512x128xf32>
    %eq3A_148 = arith.constant 5 : i32
    %eq3A_149 = vector.broadcast %eq3A_148 : i32 to vector<512x1xi32>
    %eq3A_150 = arith.cmpi eq, %get3A_5, %eq3A_149 : vector<512x1xi32>
    %slice3A_151 = vector.extract_strided_slice %dot_general3A_13 {offsets = [0, 640], sizes = [512, 128], strides = [1, 1]} : vector<512x1024xf32> to vector<512x128xf32>
    %jit3A_152 = arith.constant 0.000000e+00 : f64
    %convert_element_type3A_153 = arith.truncf %jit3A_152 : f64 to f32
    %broadcast_in_dim3A_154 = vector.shape_cast %eq3A_150 : vector<512x1xi1> to vector<512x1xi1>
    %broadcast_in_dim3A_155 = vector.broadcast %broadcast_in_dim3A_154 : vector<512x1xi1> to vector<512x128xi1>
    %broadcast_in_dim3A_156 = vector.broadcast %convert_element_type3A_153 : f32 to vector<512x128xf32>
    %select_n3A_157 = arith.select %broadcast_in_dim3A_155, %slice3A_151, %broadcast_in_dim3A_156 : vector<512x128xi1>, vector<512x128xf32>
    %add3A_158 = arith.addf %add3A_147, %select_n3A_157 : vector<512x128xf32>
    %eq3A_159 = arith.constant 6 : i32
    %eq3A_160 = vector.broadcast %eq3A_159 : i32 to vector<512x1xi32>
    %eq3A_161 = arith.cmpi eq, %get3A_5, %eq3A_160 : vector<512x1xi32>
    %slice3A_162 = vector.extract_strided_slice %dot_general3A_13 {offsets = [0, 768], sizes = [512, 128], strides = [1, 1]} : vector<512x1024xf32> to vector<512x128xf32>
    %jit3A_163 = arith.constant 0.000000e+00 : f64
    %convert_element_type3A_164 = arith.truncf %jit3A_163 : f64 to f32
    %broadcast_in_dim3A_165 = vector.shape_cast %eq3A_161 : vector<512x1xi1> to vector<512x1xi1>
    %broadcast_in_dim3A_166 = vector.broadcast %broadcast_in_dim3A_165 : vector<512x1xi1> to vector<512x128xi1>
    %broadcast_in_dim3A_167 = vector.broadcast %convert_element_type3A_164 : f32 to vector<512x128xf32>
    %select_n3A_168 = arith.select %broadcast_in_dim3A_166, %slice3A_162, %broadcast_in_dim3A_167 : vector<512x128xi1>, vector<512x128xf32>
    %add3A_169 = arith.addf %add3A_158, %select_n3A_168 : vector<512x128xf32>
    %eq3A_170 = arith.constant 7 : i32
    %eq3A_171 = vector.broadcast %eq3A_170 : i32 to vector<512x1xi32>
    %eq3A_172 = arith.cmpi eq, %get3A_5, %eq3A_171 : vector<512x1xi32>
    %slice3A_173 = vector.extract_strided_slice %dot_general3A_13 {offsets = [0, 896], sizes = [512, 128], strides = [1, 1]} : vector<512x1024xf32> to vector<512x128xf32>
    %jit3A_174 = arith.constant 0.000000e+00 : f64
    %convert_element_type3A_175 = arith.truncf %jit3A_174 : f64 to f32
    %broadcast_in_dim3A_176 = vector.shape_cast %eq3A_172 : vector<512x1xi1> to vector<512x1xi1>
    %broadcast_in_dim3A_177 = vector.broadcast %broadcast_in_dim3A_176 : vector<512x1xi1> to vector<512x128xi1>
    %broadcast_in_dim3A_178 = vector.broadcast %convert_element_type3A_175 : f32 to vector<512x128xf32>
    %select_n3A_179 = arith.select %broadcast_in_dim3A_177, %slice3A_173, %broadcast_in_dim3A_178 : vector<512x128xi1>, vector<512x128xf32>
    %add3A_180 = arith.addf %add3A_169, %select_n3A_179 : vector<512x128xf32>
    %slice3A_181 = vector.extract_strided_slice %dot_general3A_57 {offsets = [0, 0], sizes = [512, 128], strides = [1, 1]} : vector<512x512xf32> to vector<512x128xf32>
    %logistic3A_182 = arith.negf %slice3A_181 : vector<512x128xf32>
    %logistic3A_183 = math.exp %logistic3A_182 : vector<512x128xf32>
    %logistic3A_184 = arith.constant 1.000000e+00 : f32
    %logistic3A_185 = vector.broadcast %logistic3A_184 : f32 to vector<512x128xf32>
    %logistic3A_186 = arith.addf %logistic3A_185, %logistic3A_183 : vector<512x128xf32>
    %logistic3A_187 = arith.divf %logistic3A_185, %logistic3A_186 : vector<512x128xf32>
    %slice3A_188 = vector.extract_strided_slice %dot_general3A_57 {offsets = [0, 128], sizes = [512, 128], strides = [1, 1]} : vector<512x512xf32> to vector<512x128xf32>
    %tanh3A = math.tanh %slice3A_188 : vector<512x128xf32>
    %slice3A_189 = vector.extract_strided_slice %dot_general3A_57 {offsets = [0, 256], sizes = [512, 128], strides = [1, 1]} : vector<512x512xf32> to vector<512x128xf32>
    %tanh3A_190 = math.tanh %slice3A_189 : vector<512x128xf32>
    %slice3A_191 = vector.extract_strided_slice %dot_general3A_57 {offsets = [0, 384], sizes = [512, 128], strides = [1, 1]} : vector<512x512xf32> to vector<512x128xf32>
    %logistic3A_192 = arith.negf %slice3A_191 : vector<512x128xf32>
    %logistic3A_193 = math.exp %logistic3A_192 : vector<512x128xf32>
    %logistic3A_194 = arith.constant 1.000000e+00 : f32
    %logistic3A_195 = vector.broadcast %logistic3A_194 : f32 to vector<512x128xf32>
    %logistic3A_196 = arith.addf %logistic3A_195, %logistic3A_193 : vector<512x128xf32>
    %logistic3A_197 = arith.divf %logistic3A_195, %logistic3A_196 : vector<512x128xf32>
    %mul3A_198 = arith.mulf %tanh3A, %add3A_180 : vector<512x128xf32>
    %concatenate3A = tpu.concatenate %logistic3A_187, %logistic3A_187, %logistic3A_187, %logistic3A_187, %logistic3A_187, %logistic3A_187, %logistic3A_187, %logistic3A_187 in 1 : vector<512x128xf32>, vector<512x128xf32>, vector<512x128xf32>, vector<512x128xf32>, vector<512x128xf32>, vector<512x128xf32>, vector<512x128xf32>, vector<512x128xf32> -> vector<512x1024xf32>
    %concatenate3A_199 = tpu.concatenate %mul3A_198, %mul3A_198, %mul3A_198, %mul3A_198, %mul3A_198, %mul3A_198, %mul3A_198, %mul3A_198 in 1 : vector<512x128xf32>, vector<512x128xf32>, vector<512x128xf32>, vector<512x128xf32>, vector<512x128xf32>, vector<512x128xf32>, vector<512x128xf32>, vector<512x128xf32> -> vector<512x1024xf32>
    %jit3A_200 = arith.constant 1.000000e+00 : f64
    %convert_element_type3A_201 = arith.truncf %jit3A_200 : f64 to f32
    %broadcast_in_dim3A_202 = vector.broadcast %convert_element_type3A_201 : f32 to vector<512x1024xf32>
    %select_n3A_203 = arith.select %eq3A_92, %concatenate3A, %broadcast_in_dim3A_202 : vector<512x1024xi1>, vector<512x1024xf32>
    %jit3A_204 = arith.constant 0.000000e+00 : f64
    %convert_element_type3A_205 = arith.truncf %jit3A_204 : f64 to f32
    %broadcast_in_dim3A_206 = vector.broadcast %convert_element_type3A_205 : f32 to vector<512x1024xf32>
    %select_n3A_207 = arith.select %eq3A_92, %concatenate3A_199, %broadcast_in_dim3A_206 : vector<512x1024xi1>, vector<512x1024xf32>
    %roll3A = arith.constant 1 : i32
    %roll3A_208 = tpu.dynamic_rotate %select_n3A_203 by %roll3A dim 0 : vector<512x1024xf32>, i32 -> vector<512x1024xf32>
    %iota3A_209 = tpu.iota {dimensions = array<i32: 0>} : vector<512x1024xi32>
    %rem3A_210 = arith.constant 128 : i32
    %rem3A_211 = vector.broadcast %rem3A_210 : i32 to vector<512x1024xi32>
    %rem3A_212 = arith.remsi %iota3A_209, %rem3A_211 : vector<512x1024xi32>
    %ge3A = arith.constant 1 : i32
    %ge3A_213 = vector.broadcast %ge3A : i32 to vector<512x1024xi32>
    %ge3A_214 = arith.cmpi sge, %rem3A_212, %ge3A_213 : vector<512x1024xi32>
    %jit3A_215 = arith.constant 1.000000e+00 : f64
    %convert_element_type3A_216 = arith.truncf %jit3A_215 : f64 to f32
    %broadcast_in_dim3A_217 = vector.broadcast %convert_element_type3A_216 : f32 to vector<512x1024xf32>
    %select_n3A_218 = arith.select %ge3A_214, %roll3A_208, %broadcast_in_dim3A_217 : vector<512x1024xi1>, vector<512x1024xf32>
    %roll3A_219 = arith.constant 1 : i32
    %roll3A_220 = tpu.dynamic_rotate %select_n3A_207 by %roll3A_219 dim 0 : vector<512x1024xf32>, i32 -> vector<512x1024xf32>
    %iota3A_221 = tpu.iota {dimensions = array<i32: 0>} : vector<512x1024xi32>
    %rem3A_222 = arith.constant 128 : i32
    %rem3A_223 = vector.broadcast %rem3A_222 : i32 to vector<512x1024xi32>
    %rem3A_224 = arith.remsi %iota3A_221, %rem3A_223 : vector<512x1024xi32>
    %ge3A_225 = arith.constant 1 : i32
    %ge3A_226 = vector.broadcast %ge3A_225 : i32 to vector<512x1024xi32>
    %ge3A_227 = arith.cmpi sge, %rem3A_224, %ge3A_226 : vector<512x1024xi32>
    %jit3A_228 = arith.constant 0.000000e+00 : f64
    %convert_element_type3A_229 = arith.truncf %jit3A_228 : f64 to f32
    %broadcast_in_dim3A_230 = vector.broadcast %convert_element_type3A_229 : f32 to vector<512x1024xf32>
    %select_n3A_231 = arith.select %ge3A_227, %roll3A_220, %broadcast_in_dim3A_230 : vector<512x1024xi1>, vector<512x1024xf32>
    %mul3A_232 = arith.mulf %select_n3A_203, %select_n3A_231 : vector<512x1024xf32>
    %add3A_233 = arith.addf %select_n3A_207, %mul3A_232 : vector<512x1024xf32>
    %mul3A_234 = arith.mulf %select_n3A_203, %select_n3A_218 : vector<512x1024xf32>
    %roll3A_235 = arith.constant 2 : i32
    %roll3A_236 = tpu.dynamic_rotate %mul3A_234 by %roll3A_235 dim 0 : vector<512x1024xf32>, i32 -> vector<512x1024xf32>
    %iota3A_237 = tpu.iota {dimensions = array<i32: 0>} : vector<512x1024xi32>
    %rem3A_238 = arith.constant 128 : i32
    %rem3A_239 = vector.broadcast %rem3A_238 : i32 to vector<512x1024xi32>
    %rem3A_240 = arith.remsi %iota3A_237, %rem3A_239 : vector<512x1024xi32>
    %ge3A_241 = arith.constant 2 : i32
    %ge3A_242 = vector.broadcast %ge3A_241 : i32 to vector<512x1024xi32>
    %ge3A_243 = arith.cmpi sge, %rem3A_240, %ge3A_242 : vector<512x1024xi32>
    %jit3A_244 = arith.constant 1.000000e+00 : f64
    %convert_element_type3A_245 = arith.truncf %jit3A_244 : f64 to f32
    %broadcast_in_dim3A_246 = vector.broadcast %convert_element_type3A_245 : f32 to vector<512x1024xf32>
    %select_n3A_247 = arith.select %ge3A_243, %roll3A_236, %broadcast_in_dim3A_246 : vector<512x1024xi1>, vector<512x1024xf32>
    %roll3A_248 = arith.constant 2 : i32
    %roll3A_249 = tpu.dynamic_rotate %add3A_233 by %roll3A_248 dim 0 : vector<512x1024xf32>, i32 -> vector<512x1024xf32>
    %iota3A_250 = tpu.iota {dimensions = array<i32: 0>} : vector<512x1024xi32>
    %rem3A_251 = arith.constant 128 : i32
    %rem3A_252 = vector.broadcast %rem3A_251 : i32 to vector<512x1024xi32>
    %rem3A_253 = arith.remsi %iota3A_250, %rem3A_252 : vector<512x1024xi32>
    %ge3A_254 = arith.constant 2 : i32
    %ge3A_255 = vector.broadcast %ge3A_254 : i32 to vector<512x1024xi32>
    %ge3A_256 = arith.cmpi sge, %rem3A_253, %ge3A_255 : vector<512x1024xi32>
    %jit3A_257 = arith.constant 0.000000e+00 : f64
    %convert_element_type3A_258 = arith.truncf %jit3A_257 : f64 to f32
    %broadcast_in_dim3A_259 = vector.broadcast %convert_element_type3A_258 : f32 to vector<512x1024xf32>
    %select_n3A_260 = arith.select %ge3A_256, %roll3A_249, %broadcast_in_dim3A_259 : vector<512x1024xi1>, vector<512x1024xf32>
    %mul3A_261 = arith.mulf %mul3A_234, %select_n3A_260 : vector<512x1024xf32>
    %add3A_262 = arith.addf %add3A_233, %mul3A_261 : vector<512x1024xf32>
    %mul3A_263 = arith.mulf %mul3A_234, %select_n3A_247 : vector<512x1024xf32>
    %roll3A_264 = arith.constant 4 : i32
    %roll3A_265 = tpu.dynamic_rotate %mul3A_263 by %roll3A_264 dim 0 : vector<512x1024xf32>, i32 -> vector<512x1024xf32>
    %iota3A_266 = tpu.iota {dimensions = array<i32: 0>} : vector<512x1024xi32>
    %rem3A_267 = arith.constant 128 : i32
    %rem3A_268 = vector.broadcast %rem3A_267 : i32 to vector<512x1024xi32>
    %rem3A_269 = arith.remsi %iota3A_266, %rem3A_268 : vector<512x1024xi32>
    %ge3A_270 = arith.constant 4 : i32
    %ge3A_271 = vector.broadcast %ge3A_270 : i32 to vector<512x1024xi32>
    %ge3A_272 = arith.cmpi sge, %rem3A_269, %ge3A_271 : vector<512x1024xi32>
    %jit3A_273 = arith.constant 1.000000e+00 : f64
    %convert_element_type3A_274 = arith.truncf %jit3A_273 : f64 to f32
    %broadcast_in_dim3A_275 = vector.broadcast %convert_element_type3A_274 : f32 to vector<512x1024xf32>
    %select_n3A_276 = arith.select %ge3A_272, %roll3A_265, %broadcast_in_dim3A_275 : vector<512x1024xi1>, vector<512x1024xf32>
    %roll3A_277 = arith.constant 4 : i32
    %roll3A_278 = tpu.dynamic_rotate %add3A_262 by %roll3A_277 dim 0 : vector<512x1024xf32>, i32 -> vector<512x1024xf32>
    %iota3A_279 = tpu.iota {dimensions = array<i32: 0>} : vector<512x1024xi32>
    %rem3A_280 = arith.constant 128 : i32
    %rem3A_281 = vector.broadcast %rem3A_280 : i32 to vector<512x1024xi32>
    %rem3A_282 = arith.remsi %iota3A_279, %rem3A_281 : vector<512x1024xi32>
    %ge3A_283 = arith.constant 4 : i32
    %ge3A_284 = vector.broadcast %ge3A_283 : i32 to vector<512x1024xi32>
    %ge3A_285 = arith.cmpi sge, %rem3A_282, %ge3A_284 : vector<512x1024xi32>
    %jit3A_286 = arith.constant 0.000000e+00 : f64
    %convert_element_type3A_287 = arith.truncf %jit3A_286 : f64 to f32
    %broadcast_in_dim3A_288 = vector.broadcast %convert_element_type3A_287 : f32 to vector<512x1024xf32>
    %select_n3A_289 = arith.select %ge3A_285, %roll3A_278, %broadcast_in_dim3A_288 : vector<512x1024xi1>, vector<512x1024xf32>
    %mul3A_290 = arith.mulf %mul3A_263, %select_n3A_289 : vector<512x1024xf32>
    %add3A_291 = arith.addf %add3A_262, %mul3A_290 : vector<512x1024xf32>
    %mul3A_292 = arith.mulf %mul3A_263, %select_n3A_276 : vector<512x1024xf32>
    %roll3A_293 = arith.constant 8 : i32
    %roll3A_294 = tpu.dynamic_rotate %mul3A_292 by %roll3A_293 dim 0 : vector<512x1024xf32>, i32 -> vector<512x1024xf32>
    %iota3A_295 = tpu.iota {dimensions = array<i32: 0>} : vector<512x1024xi32>
    %rem3A_296 = arith.constant 128 : i32
    %rem3A_297 = vector.broadcast %rem3A_296 : i32 to vector<512x1024xi32>
    %rem3A_298 = arith.remsi %iota3A_295, %rem3A_297 : vector<512x1024xi32>
    %ge3A_299 = arith.constant 8 : i32
    %ge3A_300 = vector.broadcast %ge3A_299 : i32 to vector<512x1024xi32>
    %ge3A_301 = arith.cmpi sge, %rem3A_298, %ge3A_300 : vector<512x1024xi32>
    %jit3A_302 = arith.constant 1.000000e+00 : f64
    %convert_element_type3A_303 = arith.truncf %jit3A_302 : f64 to f32
    %broadcast_in_dim3A_304 = vector.broadcast %convert_element_type3A_303 : f32 to vector<512x1024xf32>
    %select_n3A_305 = arith.select %ge3A_301, %roll3A_294, %broadcast_in_dim3A_304 : vector<512x1024xi1>, vector<512x1024xf32>
    %roll3A_306 = arith.constant 8 : i32
    %roll3A_307 = tpu.dynamic_rotate %add3A_291 by %roll3A_306 dim 0 : vector<512x1024xf32>, i32 -> vector<512x1024xf32>
    %iota3A_308 = tpu.iota {dimensions = array<i32: 0>} : vector<512x1024xi32>
    %rem3A_309 = arith.constant 128 : i32
    %rem3A_310 = vector.broadcast %rem3A_309 : i32 to vector<512x1024xi32>
    %rem3A_311 = arith.remsi %iota3A_308, %rem3A_310 : vector<512x1024xi32>
    %ge3A_312 = arith.constant 8 : i32
    %ge3A_313 = vector.broadcast %ge3A_312 : i32 to vector<512x1024xi32>
    %ge3A_314 = arith.cmpi sge, %rem3A_311, %ge3A_313 : vector<512x1024xi32>
    %jit3A_315 = arith.constant 0.000000e+00 : f64
    %convert_element_type3A_316 = arith.truncf %jit3A_315 : f64 to f32
    %broadcast_in_dim3A_317 = vector.broadcast %convert_element_type3A_316 : f32 to vector<512x1024xf32>
    %select_n3A_318 = arith.select %ge3A_314, %roll3A_307, %broadcast_in_dim3A_317 : vector<512x1024xi1>, vector<512x1024xf32>
    %mul3A_319 = arith.mulf %mul3A_292, %select_n3A_318 : vector<512x1024xf32>
    %add3A_320 = arith.addf %add3A_291, %mul3A_319 : vector<512x1024xf32>
    %mul3A_321 = arith.mulf %mul3A_292, %select_n3A_305 : vector<512x1024xf32>
    %roll3A_322 = arith.constant 16 : i32
    %roll3A_323 = tpu.dynamic_rotate %mul3A_321 by %roll3A_322 dim 0 : vector<512x1024xf32>, i32 -> vector<512x1024xf32>
    %iota3A_324 = tpu.iota {dimensions = array<i32: 0>} : vector<512x1024xi32>
    %rem3A_325 = arith.constant 128 : i32
    %rem3A_326 = vector.broadcast %rem3A_325 : i32 to vector<512x1024xi32>
    %rem3A_327 = arith.remsi %iota3A_324, %rem3A_326 : vector<512x1024xi32>
    %ge3A_328 = arith.constant 16 : i32
    %ge3A_329 = vector.broadcast %ge3A_328 : i32 to vector<512x1024xi32>
    %ge3A_330 = arith.cmpi sge, %rem3A_327, %ge3A_329 : vector<512x1024xi32>
    %jit3A_331 = arith.constant 1.000000e+00 : f64
    %convert_element_type3A_332 = arith.truncf %jit3A_331 : f64 to f32
    %broadcast_in_dim3A_333 = vector.broadcast %convert_element_type3A_332 : f32 to vector<512x1024xf32>
    %select_n3A_334 = arith.select %ge3A_330, %roll3A_323, %broadcast_in_dim3A_333 : vector<512x1024xi1>, vector<512x1024xf32>
    %roll3A_335 = arith.constant 16 : i32
    %roll3A_336 = tpu.dynamic_rotate %add3A_320 by %roll3A_335 dim 0 : vector<512x1024xf32>, i32 -> vector<512x1024xf32>
    %iota3A_337 = tpu.iota {dimensions = array<i32: 0>} : vector<512x1024xi32>
    %rem3A_338 = arith.constant 128 : i32
    %rem3A_339 = vector.broadcast %rem3A_338 : i32 to vector<512x1024xi32>
    %rem3A_340 = arith.remsi %iota3A_337, %rem3A_339 : vector<512x1024xi32>
    %ge3A_341 = arith.constant 16 : i32
    %ge3A_342 = vector.broadcast %ge3A_341 : i32 to vector<512x1024xi32>
    %ge3A_343 = arith.cmpi sge, %rem3A_340, %ge3A_342 : vector<512x1024xi32>
    %jit3A_344 = arith.constant 0.000000e+00 : f64
    %convert_element_type3A_345 = arith.truncf %jit3A_344 : f64 to f32
    %broadcast_in_dim3A_346 = vector.broadcast %convert_element_type3A_345 : f32 to vector<512x1024xf32>
    %select_n3A_347 = arith.select %ge3A_343, %roll3A_336, %broadcast_in_dim3A_346 : vector<512x1024xi1>, vector<512x1024xf32>
    %mul3A_348 = arith.mulf %mul3A_321, %select_n3A_347 : vector<512x1024xf32>
    %add3A_349 = arith.addf %add3A_320, %mul3A_348 : vector<512x1024xf32>
    %mul3A_350 = arith.mulf %mul3A_321, %select_n3A_334 : vector<512x1024xf32>
    %roll3A_351 = arith.constant 32 : i32
    %roll3A_352 = tpu.dynamic_rotate %mul3A_350 by %roll3A_351 dim 0 : vector<512x1024xf32>, i32 -> vector<512x1024xf32>
    %iota3A_353 = tpu.iota {dimensions = array<i32: 0>} : vector<512x1024xi32>
    %rem3A_354 = arith.constant 128 : i32
    %rem3A_355 = vector.broadcast %rem3A_354 : i32 to vector<512x1024xi32>
    %rem3A_356 = arith.remsi %iota3A_353, %rem3A_355 : vector<512x1024xi32>
    %ge3A_357 = arith.constant 32 : i32
    %ge3A_358 = vector.broadcast %ge3A_357 : i32 to vector<512x1024xi32>
    %ge3A_359 = arith.cmpi sge, %rem3A_356, %ge3A_358 : vector<512x1024xi32>
    %jit3A_360 = arith.constant 1.000000e+00 : f64
    %convert_element_type3A_361 = arith.truncf %jit3A_360 : f64 to f32
    %broadcast_in_dim3A_362 = vector.broadcast %convert_element_type3A_361 : f32 to vector<512x1024xf32>
    %select_n3A_363 = arith.select %ge3A_359, %roll3A_352, %broadcast_in_dim3A_362 : vector<512x1024xi1>, vector<512x1024xf32>
    %roll3A_364 = arith.constant 32 : i32
    %roll3A_365 = tpu.dynamic_rotate %add3A_349 by %roll3A_364 dim 0 : vector<512x1024xf32>, i32 -> vector<512x1024xf32>
    %iota3A_366 = tpu.iota {dimensions = array<i32: 0>} : vector<512x1024xi32>
    %rem3A_367 = arith.constant 128 : i32
    %rem3A_368 = vector.broadcast %rem3A_367 : i32 to vector<512x1024xi32>
    %rem3A_369 = arith.remsi %iota3A_366, %rem3A_368 : vector<512x1024xi32>
    %ge3A_370 = arith.constant 32 : i32
    %ge3A_371 = vector.broadcast %ge3A_370 : i32 to vector<512x1024xi32>
    %ge3A_372 = arith.cmpi sge, %rem3A_369, %ge3A_371 : vector<512x1024xi32>
    %jit3A_373 = arith.constant 0.000000e+00 : f64
    %convert_element_type3A_374 = arith.truncf %jit3A_373 : f64 to f32
    %broadcast_in_dim3A_375 = vector.broadcast %convert_element_type3A_374 : f32 to vector<512x1024xf32>
    %select_n3A_376 = arith.select %ge3A_372, %roll3A_365, %broadcast_in_dim3A_375 : vector<512x1024xi1>, vector<512x1024xf32>
    %mul3A_377 = arith.mulf %mul3A_350, %select_n3A_376 : vector<512x1024xf32>
    %add3A_378 = arith.addf %add3A_349, %mul3A_377 : vector<512x1024xf32>
    %mul3A_379 = arith.mulf %mul3A_350, %select_n3A_363 : vector<512x1024xf32>
    %roll3A_380 = arith.constant 64 : i32
    %roll3A_381 = tpu.dynamic_rotate %mul3A_379 by %roll3A_380 dim 0 : vector<512x1024xf32>, i32 -> vector<512x1024xf32>
    %iota3A_382 = tpu.iota {dimensions = array<i32: 0>} : vector<512x1024xi32>
    %rem3A_383 = arith.constant 128 : i32
    %rem3A_384 = vector.broadcast %rem3A_383 : i32 to vector<512x1024xi32>
    %rem3A_385 = arith.remsi %iota3A_382, %rem3A_384 : vector<512x1024xi32>
    %ge3A_386 = arith.constant 64 : i32
    %ge3A_387 = vector.broadcast %ge3A_386 : i32 to vector<512x1024xi32>
    %ge3A_388 = arith.cmpi sge, %rem3A_385, %ge3A_387 : vector<512x1024xi32>
    %jit3A_389 = arith.constant 1.000000e+00 : f64
    %convert_element_type3A_390 = arith.truncf %jit3A_389 : f64 to f32
    %broadcast_in_dim3A_391 = vector.broadcast %convert_element_type3A_390 : f32 to vector<512x1024xf32>
    %select_n3A_392 = arith.select %ge3A_388, %roll3A_381, %broadcast_in_dim3A_391 : vector<512x1024xi1>, vector<512x1024xf32>
    %roll3A_393 = arith.constant 64 : i32
    %roll3A_394 = tpu.dynamic_rotate %add3A_378 by %roll3A_393 dim 0 : vector<512x1024xf32>, i32 -> vector<512x1024xf32>
    %iota3A_395 = tpu.iota {dimensions = array<i32: 0>} : vector<512x1024xi32>
    %rem3A_396 = arith.constant 128 : i32
    %rem3A_397 = vector.broadcast %rem3A_396 : i32 to vector<512x1024xi32>
    %rem3A_398 = arith.remsi %iota3A_395, %rem3A_397 : vector<512x1024xi32>
    %ge3A_399 = arith.constant 64 : i32
    %ge3A_400 = vector.broadcast %ge3A_399 : i32 to vector<512x1024xi32>
    %ge3A_401 = arith.cmpi sge, %rem3A_398, %ge3A_400 : vector<512x1024xi32>
    %jit3A_402 = arith.constant 0.000000e+00 : f64
    %convert_element_type3A_403 = arith.truncf %jit3A_402 : f64 to f32
    %broadcast_in_dim3A_404 = vector.broadcast %convert_element_type3A_403 : f32 to vector<512x1024xf32>
    %select_n3A_405 = arith.select %ge3A_401, %roll3A_394, %broadcast_in_dim3A_404 : vector<512x1024xi1>, vector<512x1024xf32>
    %mul3A_406 = arith.mulf %mul3A_379, %select_n3A_405 : vector<512x1024xf32>
    %add3A_407 = arith.addf %add3A_378, %mul3A_406 : vector<512x1024xf32>
    %mul3A_408 = arith.mulf %mul3A_379, %select_n3A_392 : vector<512x1024xf32>
    %get3A_409 = arith.constant 0 : index
    %get3A_410 = arith.constant 0 : index
    %get3A_411 = vector.load %arg9[%get3A_409, %get3A_410] : memref<4x1024xf32, #tpu.memory_space<vmem>>, vector<4x1024xf32>
    %broadcast_in_dim3A_412 = vector.shape_cast %get3A_411 : vector<4x1024xf32> to vector<4x1x1024xf32>
    %broadcast_in_dim3A_413 = vector.shape_cast %broadcast_in_dim3A_412 : vector<4x1x1024xf32> to vector<4x1x1024xf32>
    %broadcast_in_dim3A_414 = vector.broadcast %broadcast_in_dim3A_413 : vector<4x1x1024xf32> to vector<4x128x1024xf32>
    %reshape3A_415 = vector.shape_cast %broadcast_in_dim3A_414 : vector<4x128x1024xf32> to vector<512x1024xf32>
    %mul3A_416 = arith.mulf %mul3A_408, %reshape3A_415 : vector<512x1024xf32>
    %add3A_417 = arith.addf %add3A_407, %mul3A_416 : vector<512x1024xf32>
    %reshape3A_418 = vector.shape_cast %add3A_417 : vector<512x1024xf32> to vector<4x128x1024xf32>
    %slice3A_419 = vector.extract_strided_slice %reshape3A_418 {offsets = [0, 127, 0], sizes = [4, 1, 1024], strides = [1, 1, 1]} : vector<4x128x1024xf32> to vector<4x1x1024xf32>
    %squeeze3A = vector.shape_cast %slice3A_419 : vector<4x1x1024xf32> to vector<4x1024xf32>
    %swap3A = arith.constant 0 : index
    %swap3A_420 = arith.constant 0 : index
    %swap3A_421 = vector.load %arg9[%swap3A, %swap3A_420] : memref<4x1024xf32, #tpu.memory_space<vmem>>, vector<4x1024xf32>
    tpu.vector_store %arg9[%swap3A, %swap3A_420], %squeeze3A {strides = array<i32>} : memref<4x1024xf32, #tpu.memory_space<vmem>>, vector<4x1024xf32>,
    %broadcast_in_dim3A_422 = arith.constant 0.000000e+00 : f32
    %broadcast_in_dim3A_423 = vector.broadcast %broadcast_in_dim3A_422 : f32 to vector<512x128xf32>
    %broadcast_in_dim3A_424 = arith.constant 0.000000e+00 : f32
    %broadcast_in_dim3A_425 = vector.broadcast %broadcast_in_dim3A_424 : f32 to vector<512x128xf32>
    %eq3A_426 = arith.constant 0 : i32
    %eq3A_427 = vector.broadcast %eq3A_426 : i32 to vector<512x1xi32>
    %eq3A_428 = arith.cmpi eq, %get3A_5, %eq3A_427 : vector<512x1xi32>
    %slice3A_429 = vector.extract_strided_slice %add3A_417 {offsets = [0, 0], sizes = [512, 128], strides = [1, 1]} : vector<512x1024xf32> to vector<512x128xf32>
    %jit3A_430 = arith.constant 0.000000e+00 : f64
    %convert_element_type3A_431 = arith.truncf %jit3A_430 : f64 to f32
    %broadcast_in_dim3A_432 = vector.shape_cast %eq3A_428 : vector<512x1xi1> to vector<512x1xi1>
    %broadcast_in_dim3A_433 = vector.broadcast %broadcast_in_dim3A_432 : vector<512x1xi1> to vector<512x128xi1>
    %broadcast_in_dim3A_434 = vector.broadcast %convert_element_type3A_431 : f32 to vector<512x128xf32>
    %select_n3A_435 = arith.select %broadcast_in_dim3A_433, %slice3A_429, %broadcast_in_dim3A_434 : vector<512x128xi1>, vector<512x128xf32>
    %add3A_436 = arith.addf %broadcast_in_dim3A_423, %select_n3A_435 : vector<512x128xf32>
    %get3A_437 = arith.constant 0 : index
    %get3A_438 = arith.constant 0 : index
    %get3A_439 = vector.load %arg7[%get3A_437, %get3A_438] : memref<8x128xf32, #tpu.memory_space<vmem>>, vector<1x128xf32>
    %get3A_440 = vector.shape_cast %get3A_439 : vector<1x128xf32> to vector<128xf32>
    %broadcast_in_dim3A_441 = vector.shape_cast %get3A_440 : vector<128xf32> to vector<1x128xf32>
    %jit3A_442 = arith.constant 0.000000e+00 : f64
    %convert_element_type3A_443 = arith.truncf %jit3A_442 : f64 to f32
    %broadcast_in_dim3A_444 = vector.shape_cast %eq3A_428 : vector<512x1xi1> to vector<512x1xi1>
    %broadcast_in_dim3A_445 = vector.broadcast %broadcast_in_dim3A_444 : vector<512x1xi1> to vector<512x128xi1>
    %broadcast_in_dim3A_446 = vector.shape_cast %broadcast_in_dim3A_441 : vector<1x128xf32> to vector<1x128xf32>
    %broadcast_in_dim3A_447 = vector.broadcast %broadcast_in_dim3A_446 : vector<1x128xf32> to vector<512x128xf32>
    %broadcast_in_dim3A_448 = vector.broadcast %convert_element_type3A_443 : f32 to vector<512x128xf32>
    %select_n3A_449 = arith.select %broadcast_in_dim3A_445, %broadcast_in_dim3A_447, %broadcast_in_dim3A_448 : vector<512x128xi1>, vector<512x128xf32>
    %add3A_450 = arith.addf %broadcast_in_dim3A_425, %select_n3A_449 : vector<512x128xf32>
    %eq3A_451 = arith.constant 1 : i32
    %eq3A_452 = vector.broadcast %eq3A_451 : i32 to vector<512x1xi32>
    %eq3A_453 = arith.cmpi eq, %get3A_5, %eq3A_452 : vector<512x1xi32>
    %slice3A_454 = vector.extract_strided_slice %add3A_417 {offsets = [0, 128], sizes = [512, 128], strides = [1, 1]} : vector<512x1024xf32> to vector<512x128xf32>
    %jit3A_455 = arith.constant 0.000000e+00 : f64
    %convert_element_type3A_456 = arith.truncf %jit3A_455 : f64 to f32
    %broadcast_in_dim3A_457 = vector.shape_cast %eq3A_453 : vector<512x1xi1> to vector<512x1xi1>
    %broadcast_in_dim3A_458 = vector.broadcast %broadcast_in_dim3A_457 : vector<512x1xi1> to vector<512x128xi1>
    %broadcast_in_dim3A_459 = vector.broadcast %convert_element_type3A_456 : f32 to vector<512x128xf32>
    %select_n3A_460 = arith.select %broadcast_in_dim3A_458, %slice3A_454, %broadcast_in_dim3A_459 : vector<512x128xi1>, vector<512x128xf32>
    %add3A_461 = arith.addf %add3A_436, %select_n3A_460 : vector<512x128xf32>
    %get3A_462 = arith.constant 1 : index
    %get3A_463 = arith.constant 0 : index
    %get3A_464 = vector.load %arg7[%get3A_462, %get3A_463] : memref<8x128xf32, #tpu.memory_space<vmem>>, vector<1x128xf32>
    %get3A_465 = vector.shape_cast %get3A_464 : vector<1x128xf32> to vector<128xf32>
    %broadcast_in_dim3A_466 = vector.shape_cast %get3A_465 : vector<128xf32> to vector<1x128xf32>
    %jit3A_467 = arith.constant 0.000000e+00 : f64
    %convert_element_type3A_468 = arith.truncf %jit3A_467 : f64 to f32
    %broadcast_in_dim3A_469 = vector.shape_cast %eq3A_453 : vector<512x1xi1> to vector<512x1xi1>
    %broadcast_in_dim3A_470 = vector.broadcast %broadcast_in_dim3A_469 : vector<512x1xi1> to vector<512x128xi1>
    %broadcast_in_dim3A_471 = vector.shape_cast %broadcast_in_dim3A_466 : vector<1x128xf32> to vector<1x128xf32>
    %broadcast_in_dim3A_472 = vector.broadcast %broadcast_in_dim3A_471 : vector<1x128xf32> to vector<512x128xf32>
    %broadcast_in_dim3A_473 = vector.broadcast %convert_element_type3A_468 : f32 to vector<512x128xf32>
    %select_n3A_474 = arith.select %broadcast_in_dim3A_470, %broadcast_in_dim3A_472, %broadcast_in_dim3A_473 : vector<512x128xi1>, vector<512x128xf32>
    %add3A_475 = arith.addf %add3A_450, %select_n3A_474 : vector<512x128xf32>
    %eq3A_476 = arith.constant 2 : i32
    %eq3A_477 = vector.broadcast %eq3A_476 : i32 to vector<512x1xi32>
    %eq3A_478 = arith.cmpi eq, %get3A_5, %eq3A_477 : vector<512x1xi32>
    %slice3A_479 = vector.extract_strided_slice %add3A_417 {offsets = [0, 256], sizes = [512, 128], strides = [1, 1]} : vector<512x1024xf32> to vector<512x128xf32>
    %jit3A_480 = arith.constant 0.000000e+00 : f64
    %convert_element_type3A_481 = arith.truncf %jit3A_480 : f64 to f32
    %broadcast_in_dim3A_482 = vector.shape_cast %eq3A_478 : vector<512x1xi1> to vector<512x1xi1>
    %broadcast_in_dim3A_483 = vector.broadcast %broadcast_in_dim3A_482 : vector<512x1xi1> to vector<512x128xi1>
    %broadcast_in_dim3A_484 = vector.broadcast %convert_element_type3A_481 : f32 to vector<512x128xf32>
    %select_n3A_485 = arith.select %broadcast_in_dim3A_483, %slice3A_479, %broadcast_in_dim3A_484 : vector<512x128xi1>, vector<512x128xf32>
    %add3A_486 = arith.addf %add3A_461, %select_n3A_485 : vector<512x128xf32>
    %get3A_487 = arith.constant 2 : index
    %get3A_488 = arith.constant 0 : index
    %get3A_489 = vector.load %arg7[%get3A_487, %get3A_488] : memref<8x128xf32, #tpu.memory_space<vmem>>, vector<1x128xf32>
    %get3A_490 = vector.shape_cast %get3A_489 : vector<1x128xf32> to vector<128xf32>
    %broadcast_in_dim3A_491 = vector.shape_cast %get3A_490 : vector<128xf32> to vector<1x128xf32>
    %jit3A_492 = arith.constant 0.000000e+00 : f64
    %convert_element_type3A_493 = arith.truncf %jit3A_492 : f64 to f32
    %broadcast_in_dim3A_494 = vector.shape_cast %eq3A_478 : vector<512x1xi1> to vector<512x1xi1>
    %broadcast_in_dim3A_495 = vector.broadcast %broadcast_in_dim3A_494 : vector<512x1xi1> to vector<512x128xi1>
    %broadcast_in_dim3A_496 = vector.shape_cast %broadcast_in_dim3A_491 : vector<1x128xf32> to vector<1x128xf32>
    %broadcast_in_dim3A_497 = vector.broadcast %broadcast_in_dim3A_496 : vector<1x128xf32> to vector<512x128xf32>
    %broadcast_in_dim3A_498 = vector.broadcast %convert_element_type3A_493 : f32 to vector<512x128xf32>
    %select_n3A_499 = arith.select %broadcast_in_dim3A_495, %broadcast_in_dim3A_497, %broadcast_in_dim3A_498 : vector<512x128xi1>, vector<512x128xf32>
    %add3A_500 = arith.addf %add3A_475, %select_n3A_499 : vector<512x128xf32>
    %eq3A_501 = arith.constant 3 : i32
    %eq3A_502 = vector.broadcast %eq3A_501 : i32 to vector<512x1xi32>
    %eq3A_503 = arith.cmpi eq, %get3A_5, %eq3A_502 : vector<512x1xi32>
    %slice3A_504 = vector.extract_strided_slice %add3A_417 {offsets = [0, 384], sizes = [512, 128], strides = [1, 1]} : vector<512x1024xf32> to vector<512x128xf32>
    %jit3A_505 = arith.constant 0.000000e+00 : f64
    %convert_element_type3A_506 = arith.truncf %jit3A_505 : f64 to f32
    %broadcast_in_dim3A_507 = vector.shape_cast %eq3A_503 : vector<512x1xi1> to vector<512x1xi1>
    %broadcast_in_dim3A_508 = vector.broadcast %broadcast_in_dim3A_507 : vector<512x1xi1> to vector<512x128xi1>
    %broadcast_in_dim3A_509 = vector.broadcast %convert_element_type3A_506 : f32 to vector<512x128xf32>
    %select_n3A_510 = arith.select %broadcast_in_dim3A_508, %slice3A_504, %broadcast_in_dim3A_509 : vector<512x128xi1>, vector<512x128xf32>
    %add3A_511 = arith.addf %add3A_486, %select_n3A_510 : vector<512x128xf32>
    %get3A_512 = arith.constant 3 : index
    %get3A_513 = arith.constant 0 : index
    %get3A_514 = vector.load %arg7[%get3A_512, %get3A_513] : memref<8x128xf32, #tpu.memory_space<vmem>>, vector<1x128xf32>
    %get3A_515 = vector.shape_cast %get3A_514 : vector<1x128xf32> to vector<128xf32>
    %broadcast_in_dim3A_516 = vector.shape_cast %get3A_515 : vector<128xf32> to vector<1x128xf32>
    %jit3A_517 = arith.constant 0.000000e+00 : f64
    %convert_element_type3A_518 = arith.truncf %jit3A_517 : f64 to f32
    %broadcast_in_dim3A_519 = vector.shape_cast %eq3A_503 : vector<512x1xi1> to vector<512x1xi1>
    %broadcast_in_dim3A_520 = vector.broadcast %broadcast_in_dim3A_519 : vector<512x1xi1> to vector<512x128xi1>
    %broadcast_in_dim3A_521 = vector.shape_cast %broadcast_in_dim3A_516 : vector<1x128xf32> to vector<1x128xf32>
    %broadcast_in_dim3A_522 = vector.broadcast %broadcast_in_dim3A_521 : vector<1x128xf32> to vector<512x128xf32>
    %broadcast_in_dim3A_523 = vector.broadcast %convert_element_type3A_518 : f32 to vector<512x128xf32>
    %select_n3A_524 = arith.select %broadcast_in_dim3A_520, %broadcast_in_dim3A_522, %broadcast_in_dim3A_523 : vector<512x128xi1>, vector<512x128xf32>
    %add3A_525 = arith.addf %add3A_500, %select_n3A_524 : vector<512x128xf32>
    %eq3A_526 = arith.constant 4 : i32
    %eq3A_527 = vector.broadcast %eq3A_526 : i32 to vector<512x1xi32>
    %eq3A_528 = arith.cmpi eq, %get3A_5, %eq3A_527 : vector<512x1xi32>
    %slice3A_529 = vector.extract_strided_slice %add3A_417 {offsets = [0, 512], sizes = [512, 128], strides = [1, 1]} : vector<512x1024xf32> to vector<512x128xf32>
    %jit3A_530 = arith.constant 0.000000e+00 : f64
    %convert_element_type3A_531 = arith.truncf %jit3A_530 : f64 to f32
    %broadcast_in_dim3A_532 = vector.shape_cast %eq3A_528 : vector<512x1xi1> to vector<512x1xi1>
    %broadcast_in_dim3A_533 = vector.broadcast %broadcast_in_dim3A_532 : vector<512x1xi1> to vector<512x128xi1>
    %broadcast_in_dim3A_534 = vector.broadcast %convert_element_type3A_531 : f32 to vector<512x128xf32>
    %select_n3A_535 = arith.select %broadcast_in_dim3A_533, %slice3A_529, %broadcast_in_dim3A_534 : vector<512x128xi1>, vector<512x128xf32>
    %add3A_536 = arith.addf %add3A_511, %select_n3A_535 : vector<512x128xf32>
    %get3A_537 = arith.constant 4 : index
    %get3A_538 = arith.constant 0 : index
    %get3A_539 = vector.load %arg7[%get3A_537, %get3A_538] : memref<8x128xf32, #tpu.memory_space<vmem>>, vector<1x128xf32>
    %get3A_540 = vector.shape_cast %get3A_539 : vector<1x128xf32> to vector<128xf32>
    %broadcast_in_dim3A_541 = vector.shape_cast %get3A_540 : vector<128xf32> to vector<1x128xf32>
    %jit3A_542 = arith.constant 0.000000e+00 : f64
    %convert_element_type3A_543 = arith.truncf %jit3A_542 : f64 to f32
    %broadcast_in_dim3A_544 = vector.shape_cast %eq3A_528 : vector<512x1xi1> to vector<512x1xi1>
    %broadcast_in_dim3A_545 = vector.broadcast %broadcast_in_dim3A_544 : vector<512x1xi1> to vector<512x128xi1>
    %broadcast_in_dim3A_546 = vector.shape_cast %broadcast_in_dim3A_541 : vector<1x128xf32> to vector<1x128xf32>
    %broadcast_in_dim3A_547 = vector.broadcast %broadcast_in_dim3A_546 : vector<1x128xf32> to vector<512x128xf32>
    %broadcast_in_dim3A_548 = vector.broadcast %convert_element_type3A_543 : f32 to vector<512x128xf32>
    %select_n3A_549 = arith.select %broadcast_in_dim3A_545, %broadcast_in_dim3A_547, %broadcast_in_dim3A_548 : vector<512x128xi1>, vector<512x128xf32>
    %add3A_550 = arith.addf %add3A_525, %select_n3A_549 : vector<512x128xf32>
    %eq3A_551 = arith.constant 5 : i32
    %eq3A_552 = vector.broadcast %eq3A_551 : i32 to vector<512x1xi32>
    %eq3A_553 = arith.cmpi eq, %get3A_5, %eq3A_552 : vector<512x1xi32>
    %slice3A_554 = vector.extract_strided_slice %add3A_417 {offsets = [0, 640], sizes = [512, 128], strides = [1, 1]} : vector<512x1024xf32> to vector<512x128xf32>
    %jit3A_555 = arith.constant 0.000000e+00 : f64
    %convert_element_type3A_556 = arith.truncf %jit3A_555 : f64 to f32
    %broadcast_in_dim3A_557 = vector.shape_cast %eq3A_553 : vector<512x1xi1> to vector<512x1xi1>
    %broadcast_in_dim3A_558 = vector.broadcast %broadcast_in_dim3A_557 : vector<512x1xi1> to vector<512x128xi1>
    %broadcast_in_dim3A_559 = vector.broadcast %convert_element_type3A_556 : f32 to vector<512x128xf32>
    %select_n3A_560 = arith.select %broadcast_in_dim3A_558, %slice3A_554, %broadcast_in_dim3A_559 : vector<512x128xi1>, vector<512x128xf32>
    %add3A_561 = arith.addf %add3A_536, %select_n3A_560 : vector<512x128xf32>
    %get3A_562 = arith.constant 5 : index
    %get3A_563 = arith.constant 0 : index
    %get3A_564 = vector.load %arg7[%get3A_562, %get3A_563] : memref<8x128xf32, #tpu.memory_space<vmem>>, vector<1x128xf32>
    %get3A_565 = vector.shape_cast %get3A_564 : vector<1x128xf32> to vector<128xf32>
    %broadcast_in_dim3A_566 = vector.shape_cast %get3A_565 : vector<128xf32> to vector<1x128xf32>
    %jit3A_567 = arith.constant 0.000000e+00 : f64
    %convert_element_type3A_568 = arith.truncf %jit3A_567 : f64 to f32
    %broadcast_in_dim3A_569 = vector.shape_cast %eq3A_553 : vector<512x1xi1> to vector<512x1xi1>
    %broadcast_in_dim3A_570 = vector.broadcast %broadcast_in_dim3A_569 : vector<512x1xi1> to vector<512x128xi1>
    %broadcast_in_dim3A_571 = vector.shape_cast %broadcast_in_dim3A_566 : vector<1x128xf32> to vector<1x128xf32>
    %broadcast_in_dim3A_572 = vector.broadcast %broadcast_in_dim3A_571 : vector<1x128xf32> to vector<512x128xf32>
    %broadcast_in_dim3A_573 = vector.broadcast %convert_element_type3A_568 : f32 to vector<512x128xf32>
    %select_n3A_574 = arith.select %broadcast_in_dim3A_570, %broadcast_in_dim3A_572, %broadcast_in_dim3A_573 : vector<512x128xi1>, vector<512x128xf32>
    %add3A_575 = arith.addf %add3A_550, %select_n3A_574 : vector<512x128xf32>
    %eq3A_576 = arith.constant 6 : i32
    %eq3A_577 = vector.broadcast %eq3A_576 : i32 to vector<512x1xi32>
    %eq3A_578 = arith.cmpi eq, %get3A_5, %eq3A_577 : vector<512x1xi32>
    %slice3A_579 = vector.extract_strided_slice %add3A_417 {offsets = [0, 768], sizes = [512, 128], strides = [1, 1]} : vector<512x1024xf32> to vector<512x128xf32>
    %jit3A_580 = arith.constant 0.000000e+00 : f64
    %convert_element_type3A_581 = arith.truncf %jit3A_580 : f64 to f32
    %broadcast_in_dim3A_582 = vector.shape_cast %eq3A_578 : vector<512x1xi1> to vector<512x1xi1>
    %broadcast_in_dim3A_583 = vector.broadcast %broadcast_in_dim3A_582 : vector<512x1xi1> to vector<512x128xi1>
    %broadcast_in_dim3A_584 = vector.broadcast %convert_element_type3A_581 : f32 to vector<512x128xf32>
    %select_n3A_585 = arith.select %broadcast_in_dim3A_583, %slice3A_579, %broadcast_in_dim3A_584 : vector<512x128xi1>, vector<512x128xf32>
    %add3A_586 = arith.addf %add3A_561, %select_n3A_585 : vector<512x128xf32>
    %get3A_587 = arith.constant 6 : index
    %get3A_588 = arith.constant 0 : index
    %get3A_589 = vector.load %arg7[%get3A_587, %get3A_588] : memref<8x128xf32, #tpu.memory_space<vmem>>, vector<1x128xf32>
    %get3A_590 = vector.shape_cast %get3A_589 : vector<1x128xf32> to vector<128xf32>
    %broadcast_in_dim3A_591 = vector.shape_cast %get3A_590 : vector<128xf32> to vector<1x128xf32>
    %jit3A_592 = arith.constant 0.000000e+00 : f64
    %convert_element_type3A_593 = arith.truncf %jit3A_592 : f64 to f32
    %broadcast_in_dim3A_594 = vector.shape_cast %eq3A_578 : vector<512x1xi1> to vector<512x1xi1>
    %broadcast_in_dim3A_595 = vector.broadcast %broadcast_in_dim3A_594 : vector<512x1xi1> to vector<512x128xi1>
    %broadcast_in_dim3A_596 = vector.shape_cast %broadcast_in_dim3A_591 : vector<1x128xf32> to vector<1x128xf32>
    %broadcast_in_dim3A_597 = vector.broadcast %broadcast_in_dim3A_596 : vector<1x128xf32> to vector<512x128xf32>
    %broadcast_in_dim3A_598 = vector.broadcast %convert_element_type3A_593 : f32 to vector<512x128xf32>
    %select_n3A_599 = arith.select %broadcast_in_dim3A_595, %broadcast_in_dim3A_597, %broadcast_in_dim3A_598 : vector<512x128xi1>, vector<512x128xf32>
    %add3A_600 = arith.addf %add3A_575, %select_n3A_599 : vector<512x128xf32>
    %eq3A_601 = arith.constant 7 : i32
    %eq3A_602 = vector.broadcast %eq3A_601 : i32 to vector<512x1xi32>
    %eq3A_603 = arith.cmpi eq, %get3A_5, %eq3A_602 : vector<512x1xi32>
    %slice3A_604 = vector.extract_strided_slice %add3A_417 {offsets = [0, 896], sizes = [512, 128], strides = [1, 1]} : vector<512x1024xf32> to vector<512x128xf32>
    %jit3A_605 = arith.constant 0.000000e+00 : f64
    %convert_element_type3A_606 = arith.truncf %jit3A_605 : f64 to f32
    %broadcast_in_dim3A_607 = vector.shape_cast %eq3A_603 : vector<512x1xi1> to vector<512x1xi1>
    %broadcast_in_dim3A_608 = vector.broadcast %broadcast_in_dim3A_607 : vector<512x1xi1> to vector<512x128xi1>
    %broadcast_in_dim3A_609 = vector.broadcast %convert_element_type3A_606 : f32 to vector<512x128xf32>
    %select_n3A_610 = arith.select %broadcast_in_dim3A_608, %slice3A_604, %broadcast_in_dim3A_609 : vector<512x128xi1>, vector<512x128xf32>
    %add3A_611 = arith.addf %add3A_586, %select_n3A_610 : vector<512x128xf32>
    %get3A_612 = arith.constant 7 : index
    %get3A_613 = arith.constant 0 : index
    %get3A_614 = vector.load %arg7[%get3A_612, %get3A_613] : memref<8x128xf32, #tpu.memory_space<vmem>>, vector<1x128xf32>
    %get3A_615 = vector.shape_cast %get3A_614 : vector<1x128xf32> to vector<128xf32>
    %broadcast_in_dim3A_616 = vector.shape_cast %get3A_615 : vector<128xf32> to vector<1x128xf32>
    %jit3A_617 = arith.constant 0.000000e+00 : f64
    %convert_element_type3A_618 = arith.truncf %jit3A_617 : f64 to f32
    %broadcast_in_dim3A_619 = vector.shape_cast %eq3A_603 : vector<512x1xi1> to vector<512x1xi1>
    %broadcast_in_dim3A_620 = vector.broadcast %broadcast_in_dim3A_619 : vector<512x1xi1> to vector<512x128xi1>
    %broadcast_in_dim3A_621 = vector.shape_cast %broadcast_in_dim3A_616 : vector<1x128xf32> to vector<1x128xf32>
    %broadcast_in_dim3A_622 = vector.broadcast %broadcast_in_dim3A_621 : vector<1x128xf32> to vector<512x128xf32>
    %broadcast_in_dim3A_623 = vector.broadcast %convert_element_type3A_618 : f32 to vector<512x128xf32>
    %select_n3A_624 = arith.select %broadcast_in_dim3A_620, %broadcast_in_dim3A_622, %broadcast_in_dim3A_623 : vector<512x128xi1>, vector<512x128xf32>
    %add3A_625 = arith.addf %add3A_600, %select_n3A_624 : vector<512x128xf32>
    %mul3A_626 = arith.mulf %tanh3A_190, %add3A_611 : vector<512x128xf32>
    %mul3A_627 = arith.mulf %add3A_625, %logistic3A_197 : vector<512x128xf32>
    %mul3A_628 = arith.mulf %mul3A_627, %add3A_180 : vector<512x128xf32>
    %add3A_629 = arith.addf %mul3A_626, %mul3A_628 : vector<512x128xf32>
    %concatenate3A_630 = tpu.concatenate %add3A_629, %add3A_629, %add3A_629, %add3A_629, %add3A_629, %add3A_629, %add3A_629, %add3A_629 in 1 : vector<512x128xf32>, vector<512x128xf32>, vector<512x128xf32>, vector<512x128xf32>, vector<512x128xf32>, vector<512x128xf32>, vector<512x128xf32>, vector<512x128xf32> -> vector<512x1024xf32>
    %jit3A_631 = arith.constant 0.000000e+00 : f64
    %convert_element_type3A_632 = arith.truncf %jit3A_631 : f64 to f32
    %broadcast_in_dim3A_633 = vector.broadcast %convert_element_type3A_632 : f32 to vector<512x1024xf32>
    %select_n3A_634 = arith.select %eq3A_92, %concatenate3A_630, %broadcast_in_dim3A_633 : vector<512x1024xi1>, vector<512x1024xf32>
    %get3A_635 = arith.constant 0 : index
    %get3A_636 = arith.constant 0 : index
    %get3A_637 = vector.load %arg6[%get3A_635, %get3A_636] : memref<1024x1024xf32, #tpu.memory_space<vmem>>, vector<1024x1024xf32>
    %dot_general3A_638 = arith.constant dense<0.000000e+00> : vector<512x1024xf32>
    %dot_general3A_639 = tpu.matmul %select_n3A_634, %get3A_637, %dot_general3A_638 {dimension_numbers = #tpu.dot_dimension_numbers<[1], [1], [0], [0], [0, 0, 1, 0], [], []>, transpose_lhs_hint = false} : vector<512x1024xf32>, vector<1024x1024xf32>, vector<512x1024xf32> -> vector<512x1024xf32>
    %reshape3A_640 = vector.shape_cast %dot_general3A_639 : vector<512x1024xf32> to vector<4x128x1024xf32>
    %swap3A_641 = arith.constant 0 : index
    %swap3A_642 = arith.constant 0 : index
    %swap3A_643 = arith.constant 0 : index
    %swap3A_644 = vector.load %arg8[%swap3A_641, %swap3A_642, %swap3A_643] : memref<4x128x1024xf32, #tpu.memory_space<vmem>>, vector<4x128x1024xf32>
    tpu.vector_store %arg8[%swap3A_641, %swap3A_642, %swap3A_643], %reshape3A_640 {strides = array<i32>} : memref<4x128x1024xf32, #tpu.memory_space<vmem>>, vector<4x128x1024xf32>,
    return
  }
  func.func @transform_0(%arg0: i32) -> (i32, i32, i32) {
    %c0_i32 = arith.constant 0 : i32
    %c0_i32_0 = arith.constant 0 : i32
    %c0_i32_1 = arith.constant 0 : i32
    return %arg0, %c0_i32, %c0_i32_0 : i32, i32, i32
  }
  func.func @transform_1(%arg0: i32) -> (i32, i32, i32) {
    %c0_i32 = arith.constant 0 : i32
    %c0_i32_0 = arith.constant 0 : i32
    %c0_i32_1 = arith.constant 0 : i32
    return %c0_i32, %arg0, %c0_i32_0 : i32, i32, i32
  }
  func.func @transform_2(%arg0: i32) -> (i32, i32) {
    %c0_i32 = arith.constant 0 : i32
    %c0_i32_0 = arith.constant 0 : i32
    %c0_i32_1 = arith.constant 0 : i32
    return %c0_i32, %c0_i32_0 : i32, i32
  }
  func.func @transform_3(%arg0: i32) -> (i32, i32) {
    %c0_i32 = arith.constant 0 : i32
    %c0_i32_0 = arith.constant 0 : i32
    %c0_i32_1 = arith.constant 0 : i32
    return %c0_i32, %c0_i32_0 : i32, i32
  }
  func.func @transform_4(%arg0: i32) -> (i32, i32) {
    %c0_i32 = arith.constant 0 : i32
    %c0_i32_0 = arith.constant 0 : i32
    %c0_i32_1 = arith.constant 0 : i32
    return %c0_i32, %c0_i32_0 : i32, i32
  }
  func.func @transform_5(%arg0: i32) -> (i32, i32) {
    %c0_i32 = arith.constant 0 : i32
    %c0_i32_0 = arith.constant 0 : i32
    %c0_i32_1 = arith.constant 0 : i32
    return %c0_i32, %c0_i32_0 : i32, i32
  }
  func.func @transform_6(%arg0: i32) -> (i32, i32) {
    %c0_i32 = arith.constant 0 : i32
    %c0_i32_0 = arith.constant 0 : i32
    %c0_i32_1 = arith.constant 0 : i32
    return %c0_i32, %c0_i32_0 : i32, i32
  }
  func.func @transform_7(%arg0: i32) -> (i32, i32, i32) {
    %c0_i32 = arith.constant 0 : i32
    %c0_i32_0 = arith.constant 0 : i32
    %c0_i32_1 = arith.constant 0 : i32
    return %c0_i32, %arg0, %c0_i32_0 : i32, i32, i32
  }
}

</mosaic_0001>

<sc_bundles>
// kernel: kernel.4.cloned.1.call-start
scs
__scs_entry_jumppad:
0x0: {  	(pc) =	sbr.rel $0x88, $3  }
0x1: {  	(tag) =	ssettag $0x0;
	lr =	simm.s32 $0x1  }
0x2: {  	[smem:$0x3F9A] =	sst lr;
	_ =	strace $0xD0000000  }
0x3: {  	_ = 	snop  }
0x4: {  	_ = 	snop  }
0x5: {  	_ = 	snop  }
0x6: {  	_ = 	snop  }
0x7: {  	_ = 	snop  }
__scs_overlays_trampoline_lowered:
0x8: {  	[smem:$0x3FA9] =	sst s0  }
0x9: {  	[smem:$0x3FAA] =	sst s1  }
0xa: {  	[smem:$0x3FAB] =	sst s2  }
0xb: {  	[smem:$0x3FAC] =	sst s3  }
0xc: {  	[smem:$0x3FAD] =	sst s4  }
0xd: {  	[smem:$0x3FAE] =	sst s5  }
0xe: {  	[smem:$0x3FAF] =	sst s6  }
0xf: {  	[smem:$0x3FB0] =	sst s7  }
0x10: {  	[smem:$0x3FB1] =	sst s8  }
0x11: {  	[smem:$0x3FB2] =	sst s9;
	s0 =	simm.s32 @!p0 $0x0  }
0x12: {  	s1 =	sld [smem:$0x3F98];
	s0 =	simm.s32 @p0 $0x1  }
0x13: {  	[smem:$0x3FB3] =	sst s0;
	s0 =	simm.s32 @!p1 $0x0  }
0x14: {  	s2 =	sld [smem:$0x3F97];
	s0 =	simm.s32 @p1 $0x1  }
0x15: {  	[smem:$0x3FB4] =	sst s0;
	s0 =	simm.s32 @!p2 $0x0  }
0x16: {  	s3 =	sld [smem:$0x3FDB];
	s0 =	simm.s32 @p2 $0x1  }
0x17: {  	s4 =	simm.s32 $0x1BF5;
	[smem:$0x3FB6] =	sst s0  }
0x18: {  	s0 =	sld [smem:$0x3F99];
	_ =	swait.ge [sflag:s4], $0x0  }
0x19: {  	s7 =	sld [smem:$0x3F9A]  }
0x1a: {  	s8 =	sadd.s32 $0xFFFFE003, lr  }
0x1b: {  	s9 =	sadd.s32 $0xFFFFFEF7, lr;
	s5 =	simm.s32 $0xFFFFFFFF;
	p2 =	slt.u32 s8, $0xFFFFF086  }
0x1c: {  	p1 =	slt.u32 s9, $0xF7A;
	s5 =	simm.s32 @!p2 $0x0  }
0x1d: {  	s5 =	simm.s32 @p1 $0x1;
	p0 =	seq.s32 s7, s2  }
0x1e: {  	s7 =	smul.u32 @!p0 $0xF7A, s2;
	p2 =	seq.s32 @!p0 s5, $0x0  }
0x1f: {  	s9 =	smul.u32 $0xF7A, s1;
	s8 =	simm.s32 @!p0 $0x1BF5;
	p2 =	por !p2, p0  }
0x20: {  	[sflag:s8] =	ssyncset.s32 @!p0 $0xFFFFF086;
	s6 =	sadd.s32 @!p0 s3, s7;
	s7 =	simm.s32 @!p0 $0x108  }
0x21: {  	s3 =	sadd.s32 s3, s9;
	s6 =	sadd.s32 @!p0 $0x88, s6;
	s7 =	simm.s32 @p2 $0x1082  }
0x22: {  	[simem:s7], [sflag:s8] =	dma.local @!p0 [hbm:s6], $0xF7A  }
0x23: {  	s9 =	sor.u32 $0xD0000000, s2;
	s6 =	simm.s32 $0x108;
	_ =	swait.ge @!p0 [sflag:s8], $0x0  }
0x24: {  	s3 =	sadd.s32 $0x88, s3;
	s6 =	simm.s32 @!p1 $0x1082;
	[sflag:s4] =	ssyncset.s32 $0xFFFFF086  }
0x25: {  	[simem:s6], [sflag:s4] =	dma.local [hbm:s3], $0xF7A  }
0x26: {  	[smem:$0x3F9A] =	sst s1;
	(tag) =	ssettag s2;
	_ =	strace s9  }
0x27: {  	s1 =	sld [smem:$0x3FAA]  }
0x28: {  	s2 =	sld [smem:$0x3FAB]  }
0x29: {  	s4 =	sld [smem:$0x3FAD]  }
0x2a: {  	p0 =	seq.s32 s5, $0x0;
	s5 =	sld [smem:$0x3FAE]  }
0x2b: {  	s6 =	sld [smem:$0x3FAF]  }
0x2c: {  	s7 =	sld [smem:$0x3FB0]  }
0x2d: {  	s3 =	simm.s32 $0x108;
	s8 =	sld [smem:$0x3FB1]  }
0x2e: {  	s3 =	simm.s32 @!p0 $0x1082;
	s9 =	sld [smem:$0x3FB2]  }
0x2f: {  	lr =	sadd.s32 s0, s3;
	s0 =	sld [smem:$0x3FA9]  }
0x30: {  	s3 =	sld [smem:$0x3FAC]  }
0x31: {  	[smem:$0x3FB5] =	sst s10  }
0x32: {  	s10 =	sld [smem:$0x3FB3];
	_ =	sdelay $0x3  }
0x33: {  	p0 =	seq.s32 s10, $0x1;
	s10 =	sld [smem:$0x3FB5];
	_ =	sdelay $0x3  }
0x34: {  	[smem:$0x3FB5] =	sst s10  }
0x35: {  	s10 =	sld [smem:$0x3FB4];
	_ =	sdelay $0x3  }
0x36: {  	p1 =	seq.s32 s10, $0x1;
	s10 =	sld [smem:$0x3FB5];
	_ =	sdelay $0x3  }
0x37: {  	[smem:$0x3FB5] =	sst s10  }
0x38: {  	s10 =	sld [smem:$0x3FB6]  }
0x39: {  	_ = 	snop;
	(pc) =	sbr.ind lr, $3  }
0x3a: {  	_ = 	snop  }
0x3b: {  	_ = 	snop  }
0x3c: {  	p2 =	seq.s32 s10, $0x1;
	s10 =	sld [smem:$0x3FB5]  }
0x3d: {  	_ =	shalt  }
0x3e: {  	_ =	shalt  }
0x3f: {  	_ =	shalt  }
0x40: {  	_ =	shalt  }
0x41: {  	_ =	shalt  }
0x42: {  	_ =	shalt  }
0x43: {  	_ =	shalt  }
0x44: {  	_ =	shalt  }
0x45: {  	_ =	shalt  }
0x46: {  	_ =	shalt  }
0x47: {  	_ =	shalt  }
0x48: {  	_ =	shalt  }
0x49: {  	_ =	shalt  }
0x4a: {  	_ =	shalt  }
0x4b: {  	_ =	shalt  }
0x4c: {  	_ =	shalt  }
0x4d: {  	_ =	shalt  }
0x4e: {  	_ =	shalt  }
0x4f: {  	_ =	shalt  }
0x50: {  	_ =	shalt  }
0x51: {  	_ =	shalt  }
0x52: {  	_ =	shalt  }
0x53: {  	_ =	shalt  }
0x54: {  	_ =	shalt  }
0x55: {  	_ =	shalt  }
0x56: {  	_ =	shalt  }
0x57: {  	_ =	shalt  }
0x58: {  	_ =	shalt  }
0x59: {  	_ =	shalt  }
0x5a: {  	_ =	shalt  }
0x5b: {  	_ =	shalt  }
0x5c: {  	_ =	shalt  }
0x5d: {  	_ =	shalt  }
0x5e: {  	_ =	shalt  }
0x5f: {  	_ =	shalt  }
0x60: {  	_ =	shalt  }
0x61: {  	_ =	shalt  }
0x62: {  	_ =	shalt  }
0x63: {  	_ =	shalt  }
0x64: {  	_ =	shalt  }
0x65: {  	_ =	shalt  }
0x66: {  	_ =	shalt  }
0x67: {  	_ =	shalt  }
0x68: {  	_ =	shalt  }
0x69: {  	_ =	shalt  }
0x6a: {  	_ =	shalt  }
0x6b: {  	_ =	shalt  }
0x6c: {  	_ =	shalt  }
0x6d: {  	_ =	shalt  }
0x6e: {  	_ =	shalt  }
0x6f: {  	_ =	shalt  }
0x70: {  	_ =	shalt  }
0x71: {  	_ =	shalt  }
0x72: {  	_ =	shalt  }
0x73: {  	_ =	shalt  }
0x74: {  	_ =	shalt  }
0x75: {  	_ =	shalt  }
0x76: {  	_ =	shalt  }
0x77: {  	_ =	shalt  }
0x78: {  	_ =	shalt  }
0x79: {  	_ =	shalt  }
0x7a: {  	_ =	shalt  }
0x7b: {  	_ =	shalt  }
0x7c: {  	_ =	shalt  }
0x7d: {  	_ =	shalt  }
0x7e: {  	_ =	shalt  }
0x7f: {  	_ =	shalt  }
0x80: {  	_ =	shalt  }
0x81: {  	_ =	shalt  }
0x82: {  	_ =	shalt  }
0x83: {  	_ =	shalt  }
0x84: {  	_ =	shalt  }
0x85: {  	_ =	shalt  }
0x86: {  	_ =	shalt  }
0x87: {  	_ =	shalt  }
.Lfunc_end0:
.L_simem_size_0:
called_computation_lowered:
.L_overlay_start_0:
0x88: {  	s2 =	sld [smem:$0x3FD9]  }
0x89: {  	s3 =	sld [smem:$0x3FFE];
	_ =	sdelay $0x1  }
0x8a: {  	s1 =	srdreg.scid  }
0x8b: {  	s0 =	sand.u32 $0x1, s1  }
0x8c: {  	s16 =	sshll.u32 s0, $0xA;
	s2 =	sadd.s32 s3, s2  }
0x8d: {  	s2 =	sadd.s32 s2, s16  }
0x8e: {  	[smem:$0x3FC1] =	sst s2  }
0x8f: {  	_ = 	snop  }
0x90: {  	(tm) =	ssettm $0x1  }
0x91: {  	s17 =	sld [smem:$0x3FFB];
	_ =	sdelay $0x3  }
0x92: {  	_ =	strace s17  }
0x93: {  	s2 =	sld [smem:$0x3FFC];
	_ =	sdelay $0x3  }
0x94: {  	_ =	strace s2  }
0x95: {  	s2 =	sld [smem:$0x3FFD];
	_ =	sdelay $0x3  }
0x96: {  	_ =	strace s2  }
0x97: {  	_ =	strace $0x8FFFFFFF  }
0x98: {  	s18 =	sld [smem:$0x3FDB];
	_ =	sdelay $0x1  }
0x99: {  	s19 =	simm.s32 $_scs_section_size  }
0x9a: {  	s4 =	simm.s32 $_size__tile_overlayer_lowered;
	s5 =	simm.s32 $_tile_overlayer_lowered  }
0x9b: {  	s22 =	simm.s32 $0x1BFF;
	s21 =	sshll.u32 s5, $0x1;
	s2 =	sadd.s32 s19, s18  }
0x9c: {  	s6 =	simm.s32 $0x0;
	s20 =	sshll.u32 s4, $0x1;
	s4 =	sadd.s32 s21, s2  }
0x9d: {  	[timem:s6], [sflag:s22] =	dma.local [hbm:s4], s20  }
0x9e: {  	_ =	swait.ge [sflag:s22], s20  }
0x9f: {  	s3 =	ssub.s32 $0x0, s20;
	[sflag:s22] =	ssyncset.done $0x0  }
0xa0: {  	[sflag:s22] =	ssyncadd.s32 s3;
	_ =	sdelay $0x1  }
0xa1: {  	s23 =	simm.s32 $0x1B8B  }
0xa2: {  	_ =	swait.ge [sflag:s23], $0x1  }
0xa3: {  	[sflag:s23] =	ssyncset.done $0x0  }
0xa4: {  	s25 =	simm.s32 $0x1B8E;
	s24 =	sld [smem:$0x3FFE];
	[sflag:s23] =	ssyncadd.s32 $0xFFFFFFFF  }
0xa5: {  	s26 =	simm.s32 $execute0_lowered;
	[smem:$0x3FD2] =	sst s25  }
0xa6: {  	s4 =	sshll.u32 s26, $0x1;
	_ =	strace $0x80000046;
	[dreg:$0x1] =	wrdreg $0xFFFFFFFF  }
0xa7: {  	s28 =	simm.s32 $_size_execute0_lowered;
	s2 =	sadd.s32 s2, s4;
	[dreg:$0x0] =	wrdreg $0x0  }
0xa8: {  	s4 =	sshll.u32 s28, $0x1;
	[dreg:$0x2] =	wrdreg s2  }
0xa9: {  	[dreg:$0x3] =	wrdreg s4  }
0xaa: {  	[dreg:$0x4] =	wrdreg $0xC0  }
0xab: {  	_ =	task [dreg:s6], $0x5FFFF  }
0xac: {  	[dreg:$0x1] =	wrdreg $0xFFFFFFFF  }
0xad: {  	[dreg:$0x0] =	wrdreg $0x60  }
0xae: {  	[dreg:$0x2] =	wrdreg s24  }
0xaf: {  	[dreg:$0x3] =	wrdreg $0x9  }
0xb0: {  	_ =	task.clear_ibuf [dreg:s6], $0x4FFFF;
	_ =	strace $0x90000046  }
0xb1: {  	s29 =	simm.s32 $0x9;
	_ =	strace $0x80000048  }
0xb2: {  	_ =	swait.ge [sflag:s29], $0x1  }
0xb3: {  	[sflag:s29] =	ssyncadd.s32 $0xFFFFFFFF  }
0xb4: {  	_ =	strace $0x90000048  }
0xb5: {  	_ =	sfence  }
0xb6: {  	s30 =	sld [smem:$0x0];
	_ =	sdelay $0x2  }
0xb7: {  	s31 =	sshll.u32 s1, $0xD;
	s1 =	sshrl.u32 s1, $0x2  }
0xb8: {  	s3 =	sand.u32 $0x4000, s31;
	s1 =	sadd.s32 s1, s30  }
0xb9: {  	s0 =	sor.u32 s3, s0;
	s1 =	sshll.u32 s1, $0x11  }
0xba: {  	s0 =	sor.u32 s1, s0  }
0xbb: {  	s0 =	sadd.s32 $0x8F2B, s0  }
0xbc: {  	[sflag:s0] =	ssyncadd.remote.s32 $0x1  }
0xbd: {  	_ =	sfence.sel $0xFFFF  }
0xbe: {  	[dreg:$0x0] =	wrdreg $0xFFFFFFFF;
	(pc) =	sbr.abs _section_cstart, $3  }
0xbf: {  	[dreg:$0x1] =	wrdreg $0xFFFFFFFF  }
0xc0: {  	_ =	task.clear_ibuf [dreg:s6], $0x2FFFF;
	_ =	strace $0x9FFFFFFF  }
0xc1: {  	(tm) =	ssettm $0x7FFFFFFF  }
tec
execute0_lowered:
.L_overlay_start_1:
0x0: {  	(tag) =	ssettag $0x1  }
0x1: {  	s1 =	srdreg.scid  }
0x2: {  	s0 =	stileid.u32;
	s5 =	sand.u32 $0x1, s1  }
0x3: {  	s3 =	rddreg [dreg:$0x0];
	s4 =	sshll.u32 s0, $0x6;
	s6 =	sshll.u32 s5, $0x5  }
0x4: {  	s2 =	simm.s32 $0x0;
	s1 =	rddreg [dreg:$0x1];
	s4 =	sor.u32 s6, s4  }
0x5: {  	[smem:$0x7FF] =	sst s2;
	s4 =	sadd.s32 s4, s3  }
0x6: {  	_ =	strace $0x80000047;
	s3 =	simm.s32 $0x1;
	s6 =	sadd.s32 $0x600, s4  }
0x7: {  	[tilespmem:s2], [sflag:$0x1] =	stream.linear.gather [hbm4b:s6+s2], $0x100, $0x38;
	[tilespmem:$0x200] =	vst v63  }
0x8: {  	_ =	swait.ge [sflag:s3], $0x100  }
0x9: {  	[sflag:s3] =	ssyncset.done $0x0  }
0xa: {  	[sflag:s3] =	ssyncadd.s32 $0xFFFFFF00  }
0xb: {  	v0 =	vld [tilespmem:$0xF0]  }
0xc: {  	v1 =	vld [tilespmem:$0xB0]  }
0xd: {  	v2 =	vld [tilespmem:$0x50]  }
0xe: {  	v3 =	vld [tilespmem:$0x20]  }
0xf: {  	v4 =	vld [tilespmem:$0xE0];
	_ =	sdelay $0x1  }
0x10: {  	v6 =	vld [tilespmem:$0x0];
	v5 =	vshrl.u32 v0, $0x10;
	v7 =	vshrl.u32 v1, $0x10  }
0x11: {  	v0 =	vxor.u32 v0, v5;
	v5 =	vshrl.u32 v2, $0x10;
	v1 =	vxor.u32 v1, v7  }
0x12: {  	v7 =	vshrl.u32 v3, $0x10;
	v0 =	vmul.u32 $0x85EBCA6B, v0;
	v5 =	vxor.u32 v2, v5  }
0x13: {  	v1 =	vmul.u32 $0x85EBCA6B, v1;
	v2 =	vxor.u32 v3, v7;
	v7 =	vshrl.u32 v4, $0x10  }
0x14: {  	v8 =	vld [tilespmem:$0x30];
	v13 =	vxor.u32 v4, v7  }
0x15: {  	s5 =	ssub.s32 $0x2, s5;
	v11 =	vld [tilespmem:$0x40];
	v7 =	vshrl.u32 v6, $0x10;
	v9 =	vshrl.u32 v0, $0xD;
	v10 =	vshrl.u32 v1, $0xD  }
0x16: {  	s7 =	sshrl.u32 s5, $0x1;
	v3 =	vld [tilespmem:$0x10];
	v17 =	vmul.u32 $0x85EBCA6B, v2;
	v0 =	vxor.u32 v0, v9;
	v1 =	vxor.u32 v1, v10  }
0x17: {  	s5 =	ssub.s32 s5, s7;
	v4 =	vld [tilespmem:$0x70];
	v15 =	vmul.u32 $0x85EBCA6B, v5;
	v9 =	vmul.u32 $0xC2B2AE35, v0;
	v1 =	vmul.u32 $0xC2B2AE35, v1  }
0x18: {  	s7 =	smax.u32 s5, $0x1;
	v2 =	vld [tilespmem:$0xA0];
	v14 =	vmul.u32 $0x85EBCA6B, v13;
	v13 =	vshrl.u32 v17, $0xD;
	v0 =	vxor.u32 v6, v7  }
0x19: {  	p0 =	sne.s32 s7, $0x1;
	v6 =	vshrl.u32 v8, $0x10;
	v7 =	vld [tilespmem:$0x90];
	v10 =	vshrl.u32 v9, $0x10;
	v5 =	vshrl.u32 v1, $0x10  }
.Ltmp0:
0x1a: {  	v17 =	vxor.u32 v17, v13;
	v10 =	vxor.u32 v9, v10;
	v1 =	vxor.u32 v1, v5;
	v5 =	vld [tilespmem:$0x60];
	(pc) =	sbr.rel @!p0 .LBB2_2-.Ltmp0, $4  }
0x1b: {  	v12 =	vxor.u32 v8, v6;
	v6 =	vshrl.u32 v11, $0x10;
	v8 =	vld [tilespmem:$0x80];
	v10 =	vand.u32 $0x7, v10  }
0x1c: {  	v0 =	vmul.u32 $0x85EBCA6B, v0;
	v11 =	vxor.u32 v11, v6;
	v6 =	vshrl.u32 v15, $0xD;
	[tilespmem:$0x1F0] =	vst v10;
	v10 =	vld [tilespmem:$0xD0]  }
0x1d: {  	v13 =	vshrl.u32 v4, $0x10;
	v9 =	vshrl.u32 v3, $0x10;
	v18 =	vand.u32 $0x7, v1  }
0x1e: {  	s4 =	sadd.s32 $0xA00, s4;
	s5 =	simm.s32 $0x100;
	s7 =	sadd.s32 $0xFFFFFFFF, s7;
	v16 =	vxor.u32 v15, v6;
	v6 =	vshrl.u32 v2, $0x10;
	v1 =	vld [tilespmem:$0xC0];
	v15 =	vshrl.u32 v7, $0x10;
	[tilespmem:$0x1B0] =	vst v18  }
.LBB2_1:
0x1f: {  	p0 =	sne.s32 s7, $0x1;
	s7 =	sadd.s32 $0xFFFFFFFF, s7;
	v16 =	vmul.u32 $0xC2B2AE35, v16;
	v18 =	vshrl.u32 v5, $0x10;
	v19 =	vshrl.u32 v14, $0xD  }
0x20: {  	v17 =	vmul.u32 $0xC2B2AE35, v17;
	v20 =	vshrl.u32 v8, $0x10;
	v7 =	vxor.u32 v7, v15  }
0x21: {  	v12 =	vmul.u32 $0x85EBCA6B, v12;
	v15 =	vshrl.u32 v10, $0x10;
	v14 =	vxor.u32 v14, v19  }
0x22: {  	v8 =	vxor.u32 v8, v20;
	v7 =	vmul.u32 $0x85EBCA6B, v7;
	v19 =	vshrl.u32 v17, $0x10  }
0x23: {  	v3 =	vxor.u32 v3, v9;
	v11 =	vmul.u32 $0x85EBCA6B, v11;
	v9 =	vxor.u32 v17, v19  }
0x24: {  	v4 =	vxor.u32 v4, v13;
	v17 =	vshrl.u32 v12, $0xD;
	v9 =	vand.u32 $0x7, v9  }
0x25: {  	v10 =	vxor.u32 v10, v15;
	v14 =	vmul.u32 $0xC2B2AE35, v14;
	v13 =	vshrl.u32 v7, $0xD  }
0x26: {  	v5 =	vxor.u32 v5, v18;
	v15 =	vshrl.u32 v11, $0xD;
	v7 =	vxor.u32 v7, v13  }
0x27: {  	v3 =	vmul.u32 $0x85EBCA6B, v3;
	[tilespmem:$0x120] =	vst v9;
	v9 =	vxor.u32 v12, v17;
	v12 =	vshrl.u32 v14, $0x10  }
0x28: {  	v5 =	vmul.u32 $0x85EBCA6B, v5;
	v9 =	vmul.u32 $0xC2B2AE35, v9;
	v12 =	vxor.u32 v14, v12  }
0x29: {  	v8 =	vmul.u32 $0x85EBCA6B, v8;
	v11 =	vxor.u32 v11, v15;
	v12 =	vand.u32 $0x7, v12  }
0x2a: {  	v13 =	vshrl.u32 v0, $0xD;
	v15 =	vshrl.u32 v5, $0xD;
	v14 =	vshrl.u32 v9, $0x10;
	[tilespmem:$0x1E0] =	vst v12  }
0x2b: {  	v2 =	vxor.u32 v2, v6;
	v11 =	vmul.u32 $0xC2B2AE35, v11;
	v7 =	vmul.u32 $0xC2B2AE35, v7  }
0x2c: {  	v4 =	vmul.u32 $0x85EBCA6B, v4;
	v2 =	vmul.u32 $0x85EBCA6B, v2;
	v6 =	vshrl.u32 v8, $0xD  }
0x2d: {  	v6 =	vxor.u32 v8, v6;
	v8 =	vshrl.u32 v7, $0x10;
	v12 =	vshrl.u32 v11, $0x10  }
0x2e: {  	v0 =	vxor.u32 v0, v13;
	v13 =	vshrl.u32 v3, $0xD;
	v7 =	vxor.u32 v7, v8  }
0x2f: {  	v8 =	vshrl.u32 v4, $0xD;
	v17 =	vshrl.u32 v1, $0x10;
	v7 =	vand.u32 $0x7, v7  }
0x30: {  	v4 =	vxor.u32 v4, v8;
	v1 =	vxor.u32 v1, v17;
	v9 =	vxor.u32 v9, v14  }
0x31: {  	v3 =	vxor.u32 v3, v13;
	v4 =	vmul.u32 $0xC2B2AE35, v4;
	v8 =	vand.u32 $0x7, v9  }
0x32: {  	v5 =	vxor.u32 v5, v15;
	v3 =	vmul.u32 $0xC2B2AE35, v3;
	[tilespmem:$0x130] =	vst v8;
	v8 =	vshrl.u32 v2, $0xD  }
0x33: {  	v0 =	vmul.u32 $0xC2B2AE35, v0;
	v5 =	vmul.u32 $0xC2B2AE35, v5;
	v9 =	vshrl.u32 v16, $0x10;
	[tilespmem:$0x190] =	vst v7  }
0x34: {  	v1 =	vmul.u32 $0x85EBCA6B, v1;
	v13 =	vshrl.u32 v4, $0x10;
	v7 =	vshrl.u32 v3, $0x10  }
0x35: {  	v4 =	vxor.u32 v4, v13;
	v2 =	vxor.u32 v2, v8;
	v3 =	vxor.u32 v3, v7  }
0x36: {  	v4 =	vand.u32 $0x7, v4;
	v7 =	vshrl.u32 v0, $0x10;
	v3 =	vand.u32 $0x7, v3  }
0x37: {  	v2 =	vmul.u32 $0xC2B2AE35, v2;
	v0 =	vxor.u32 v0, v7;
	[tilespmem:$0x170] =	vst v4;
	v4 =	vshrl.u32 v1, $0xD  }
0x38: {  	v0 =	vand.u32 $0x7, v0;
	[tilespmem:$0x110] =	vst v3;
	v3 =	vmul.u32 $0xC2B2AE35, v6;
	v1 =	vxor.u32 v1, v4  }
0x39: {  	v4 =	vmul.u32 $0x85EBCA6B, v10;
	[tilespmem:$0x100] =	vst v0;
	v0 =	vshrl.u32 v2, $0x10;
	v1 =	vmul.u32 $0xC2B2AE35, v1  }
0x3a: {  	v6 =	vshrl.u32 v5, $0x10;
	v7 =	vshrl.u32 v3, $0x10;
	v0 =	vxor.u32 v2, v0  }
0x3b: {  	v2 =	vxor.u32 v3, v7;
	v0 =	vand.u32 $0x7, v0;
	v3 =	vshrl.u32 v1, $0x10  }
0x3c: {  	v2 =	vand.u32 $0x7, v2;
	[tilespmem:$0x1A0] =	vst v0;
	v0 =	vxor.u32 v1, v3;
	v1 =	vshrl.u32 v4, $0xD  }
0x3d: {  	v3 =	vxor.u32 v16, v9;
	[tilespmem:$0x180] =	vst v2;
	v0 =	vand.u32 $0x7, v0;
	v1 =	vxor.u32 v4, v1  }
0x3e: {  	v2 =	vand.u32 $0x7, v3;
	v3 =	vxor.u32 v5, v6;
	[tilespmem:$0x1C0] =	vst v0;
	v0 =	vmul.u32 $0xC2B2AE35, v1  }
0x3f: {  	v1 =	vxor.u32 v11, v12;
	[tilespmem:$0x150] =	vst v2;
	v2 =	vand.u32 $0x7, v3  }
0x40: {  	v1 =	vand.u32 $0x7, v1;
	[tilespmem:$0x160] =	vst v2;
	v2 =	vshrl.u32 v0, $0x10  }
0x41: {  	[tilespmem:$0x140] =	vst v1;
	v0 =	vxor.u32 v0, v2  }
0x42: {  	v0 =	vand.u32 $0x7, v0  }
0x43: {  	[tilespmem:$0x1D0] =	vst v0  }
0x44: {  	[hbm4b:s4+s2] =	stream.linear.scatter [tilespmem:s5], [sflag:$0x1], $0x100, $0x38;
	[tilespmem:$0x200] =	vst v63  }
0x45: {  	_ =	swait.ge [sflag:s3], $0x100  }
0x46: {  	[sflag:s3] =	ssyncset.done $0x0  }
0x47: {  	[sflag:s3] =	ssyncadd.s32 $0xFFFFFF00  }
0x48: {  	[tilespmem:s2], [sflag:$0x1] =	stream.linear.gather [hbm4b:s6+s2], $0x100, $0x38;
	[tilespmem:$0x200] =	vst v63  }
0x49: {  	_ =	swait.ge [sflag:s3], $0x100  }
0x4a: {  	[sflag:s3] =	ssyncset.done $0x0  }
0x4b: {  	[sflag:s3] =	ssyncadd.s32 $0xFFFFFF00  }
0x4c: {  	v0 =	vld [tilespmem:$0xF0]  }
0x4d: {  	v1 =	vld [tilespmem:$0xB0]  }
0x4e: {  	v2 =	vld [tilespmem:$0x50]  }
0x4f: {  	v4 =	vld [tilespmem:$0x20]  }
0x50: {  	v6 =	vld [tilespmem:$0xE0]  }
0x51: {  	v7 =	vld [tilespmem:$0x0];
	v3 =	vshrl.u32 v0, $0x10  }
0x52: {  	v11 =	vld [tilespmem:$0x30];
	v5 =	vshrl.u32 v1, $0x10;
	v0 =	vxor.u32 v0, v3  }
0x53: {  	v13 =	vld [tilespmem:$0x40];
	v8 =	vshrl.u32 v2, $0x10;
	v1 =	vxor.u32 v1, v5;
	v0 =	vmul.u32 $0x85EBCA6B, v0  }
0x54: {  	v3 =	vld [tilespmem:$0x10];
	v5 =	vshrl.u32 v4, $0x10;
	v9 =	vxor.u32 v2, v8;
	v1 =	vmul.u32 $0x85EBCA6B, v1  }
0x55: {  	v2 =	vxor.u32 v4, v5;
	v5 =	vld [tilespmem:$0x60];
	v8 =	vshrl.u32 v6, $0x10;
	v10 =	vshrl.u32 v0, $0xD  }
0x56: {  	v4 =	vld [tilespmem:$0x70];
	v12 =	vshrl.u32 v1, $0xD;
	v6 =	vxor.u32 v6, v8;
	v0 =	vxor.u32 v0, v10  }
0x57: {  	v10 =	vshrl.u32 v7, $0x10;
	v8 =	vld [tilespmem:$0x80];
	v1 =	vxor.u32 v1, v12;
	v12 =	vmul.u32 $0xC2B2AE35, v0  }
0x58: {  	v0 =	vxor.u32 v7, v10;
	v14 =	vshrl.u32 v11, $0x10;
	v7 =	vld [tilespmem:$0x90];
	v10 =	vmul.u32 $0xC2B2AE35, v1  }
0x59: {  	v17 =	vmul.u32 $0x85EBCA6B, v2;
	v0 =	vmul.u32 $0x85EBCA6B, v0;
	v2 =	vld [tilespmem:$0xA0];
	v15 =	vshrl.u32 v12, $0x10  }
0x5a: {  	v16 =	vmul.u32 $0x85EBCA6B, v9;
	v18 =	vshrl.u32 v10, $0x10;
	v1 =	vld [tilespmem:$0xC0];
	v12 =	vxor.u32 v12, v15  }
.Ltmp1:
0x5b: {  	v9 =	vshrl.u32 v3, $0x10;
	v15 =	vxor.u32 v10, v18;
	v10 =	vld [tilespmem:$0xD0];
	v18 =	vand.u32 $0x7, v12;
	(pc) =	sbr.rel @p0 .LBB2_1-.Ltmp1, $4  }
0x5c: {  	v12 =	vxor.u32 v11, v14;
	v11 =	vshrl.u32 v13, $0x10;
	v14 =	vand.u32 $0x7, v15;
	[tilespmem:$0x1F0] =	vst v18  }
0x5d: {  	v11 =	vxor.u32 v13, v11;
	v13 =	vshrl.u32 v16, $0xD;
	[tilespmem:$0x1B0] =	vst v14;
	v14 =	vmul.u32 $0x85EBCA6B, v6  }
0x5e: {  	v6 =	vshrl.u32 v17, $0xD;
	v16 =	vxor.u32 v16, v13;
	v15 =	vshrl.u32 v7, $0x10  }
0x5f: {  	v13 =	vshrl.u32 v4, $0x10;
	v17 =	vxor.u32 v17, v6;
	v6 =	vshrl.u32 v2, $0x10  }
.LBB2_2:
0x60: {  	v16 =	vmul.u32 $0xC2B2AE35, v16  }
0x61: {  	v18 =	vshrl.u32 v5, $0x10;
	v19 =	vshrl.u32 v14, $0xD;
	v17 =	vmul.u32 $0xC2B2AE35, v17  }
0x62: {  	v7 =	vxor.u32 v7, v15;
	v12 =	vmul.u32 $0x85EBCA6B, v12;
	v3 =	vxor.u32 v3, v9  }
0x63: {  	v11 =	vmul.u32 $0x85EBCA6B, v11;
	v4 =	vxor.u32 v4, v13;
	v34 =	vshrl.u32 v0, $0xD  }
0x64: {  	v2 =	vxor.u32 v2, v6;
	v20 =	vshrl.u32 v8, $0x10;
	v14 =	vxor.u32 v14, v19  }
0x65: {  	v7 =	vmul.u32 $0x85EBCA6B, v7;
	v5 =	vxor.u32 v5, v18;
	v3 =	vmul.u32 $0x85EBCA6B, v3  }
0x66: {  	v4 =	vmul.u32 $0x85EBCA6B, v4;
	v2 =	vmul.u32 $0x85EBCA6B, v2;
	v0 =	vxor.u32 v0, v34  }
0x67: {  	v27 =	vshrl.u32 v10, $0x10;
	v28 =	vshrl.u32 v17, $0x10;
	v8 =	vxor.u32 v8, v20  }
0x68: {  	v30 =	vshrl.u32 v12, $0xD;
	v14 =	vmul.u32 $0xC2B2AE35, v14;
	v32 =	vshrl.u32 v11, $0xD  }
0x69: {  	v5 =	vmul.u32 $0x85EBCA6B, v5;
	v0 =	vmul.u32 $0xC2B2AE35, v0;
	v44 =	vshrl.u32 v16, $0x10  }
0x6a: {  	v29 =	vxor.u32 v17, v28;
	v31 =	vshrl.u32 v7, $0xD;
	v10 =	vxor.u32 v10, v27  }
0x6b: {  	v12 =	vxor.u32 v12, v30;
	v11 =	vxor.u32 v11, v32;
	v8 =	vmul.u32 $0x85EBCA6B, v8  }
0x6c: {  	v39 =	vshrl.u32 v3, $0xD;
	v40 =	vshrl.u32 v4, $0xD;
	v43 =	vshrl.u32 v2, $0xD  }
0x6d: {  	v58 =	vxor.u32 v16, v44;
	v9 =	vand.u32 $0x7, v29;
	v7 =	vxor.u32 v7, v31  }
0x6e: {  	v33 =	vshrl.u32 v14, $0x10;
	v12 =	vmul.u32 $0xC2B2AE35, v12;
	v36 =	vshrl.u32 v5, $0xD  }
0x6f: {  	v11 =	vmul.u32 $0xC2B2AE35, v11;
	v41 =	vshrl.u32 v1, $0x10;
	v4 =	vxor.u32 v4, v40  }
0x70: {  	v3 =	vxor.u32 v3, v39;
	v2 =	vxor.u32 v2, v43;
	v47 =	vshrl.u32 v0, $0x10  }
0x71: {  	v50 =	vmul.u32 $0x85EBCA6B, v10;
	v13 =	vxor.u32 v14, v33;
	v7 =	vmul.u32 $0xC2B2AE35, v7  }
0x72: {  	v37 =	vshrl.u32 v8, $0xD;
	v1 =	vxor.u32 v1, v41;
	v4 =	vmul.u32 $0xC2B2AE35, v4  }
0x73: {  	v3 =	vmul.u32 $0xC2B2AE35, v3;
	v5 =	vxor.u32 v5, v36;
	v2 =	vmul.u32 $0xC2B2AE35, v2  }
0x74: {  	v0 =	vxor.u32 v0, v47;
	v13 =	vand.u32 $0x7, v13;
	v35 =	vshrl.u32 v12, $0x10  }
0x75: {  	v6 =	vxor.u32 v8, v37;
	v5 =	vmul.u32 $0xC2B2AE35, v5;
	v1 =	vmul.u32 $0x85EBCA6B, v1  }
0x76: {  	v0 =	vand.u32 $0x7, v0;
	v55 =	vshrl.u32 v50, $0xD;
	v38 =	vshrl.u32 v7, $0x10  }
0x77: {  	[tilespmem:$0x120] =	vst v9;
	v12 =	vxor.u32 v12, v35;
	v45 =	vshrl.u32 v3, $0x10;
	v46 =	vshrl.u32 v4, $0x10  }
0x78: {  	[tilespmem:$0x1E0] =	vst v13;
	v6 =	vmul.u32 $0xC2B2AE35, v6;
	v49 =	vshrl.u32 v2, $0x10;
	v57 =	vxor.u32 v50, v55  }
0x79: {  	[tilespmem:$0x100] =	vst v0;
	v7 =	vxor.u32 v7, v38;
	v42 =	vand.u32 $0x7, v12;
	v3 =	vxor.u32 v3, v45  }
0x7a: {  	v4 =	vxor.u32 v4, v46;
	v48 =	vshrl.u32 v1, $0xD;
	v7 =	vand.u32 $0x7, v7;
	[tilespmem:$0x130] =	vst v42  }
0x7b: {  	v52 =	vshrl.u32 v5, $0x10;
	v4 =	vand.u32 $0x7, v4;
	v1 =	vxor.u32 v1, v48;
	[tilespmem:$0x190] =	vst v7  }
0x7c: {  	v2 =	vxor.u32 v2, v49;
	v3 =	vand.u32 $0x7, v3;
	[tilespmem:$0x170] =	vst v4;
	v1 =	vmul.u32 $0xC2B2AE35, v1  }
0x7d: {  	v51 =	vshrl.u32 v6, $0x10;
	v53 =	vand.u32 $0x7, v2;
	v2 =	vand.u32 $0x7, v58;
	[tilespmem:$0x110] =	vst v3  }
0x7e: {  	v6 =	vxor.u32 v6, v51;
	[tilespmem:$0x1A0] =	vst v53;
	v3 =	vxor.u32 v5, v52;
	v54 =	vshrl.u32 v1, $0x10  }
0x7f: {  	[tilespmem:$0x150] =	vst v2;
	v6 =	vand.u32 $0x7, v6;
	v56 =	vxor.u32 v1, v54;
	v1 =	vmul.u32 $0xC2B2AE35, v57  }
0x80: {  	v59 =	vshrl.u32 v11, $0x10;
	v61 =	vand.u32 $0x7, v3;
	[tilespmem:$0x180] =	vst v6  }
0x81: {  	v60 =	vxor.u32 v11, v59;
	[tilespmem:$0x160] =	vst v61;
	v0 =	vand.u32 $0x7, v56;
	v62 =	vshrl.u32 v1, $0x10  }
0x82: {  	[tilespmem:$0x1C0] =	vst v0;
	v0 =	vand.u32 $0x7, v60;
	v1 =	vxor.u32 v1, v62  }
0x83: {  	[tilespmem:$0x140] =	vst v0;
	v63 =	vand.u32 $0x7, v1  }
0x84: {  	[tilespmem:$0x1D0] =	vst v63  }
0x85: {  	[hbm4b:s4+s2] =	stream.linear.scatter [tilespmem:s5], [sflag:$0x1], $0x100, $0x38;
	[tilespmem:$0x200] =	vst v63  }
0x86: {  	_ =	swait.ge [sflag:s3], $0x100  }
0x87: {  	[sflag:s3] =	ssyncset.done $0x0  }
0x88: {  	[sflag:s3] =	ssyncadd.s32 $0xFFFFFF00  }
0x89: {  	_ =	sfence.sel $0x180000  }
0x8a: {  	[bflag:$0x0] =	sbarrier.arrive $0xFFFF  }
0x8b: {  	p0 =	sne.s32 s0, $0x0;
	_ =	strace $0x90000047  }
0x8c: {  	s0 =	sadd.s32 @!p0 $0x100000, s1;
	[bflag:$0x2] =	sbarrier.arrive $0xFFFF  }
0x8d: {  	[sflag:s0] =	ssyncadd.tile.s32 @!p0 $0x1;
	_ =	shalt  }
.Lfunc_end2:
_tile_overlayer_lowered:
.L_overlay_start_2:
0x8e: {  	(tag) =	ssettag $0x2  }
0x8f: {  	s0 =	rddreg [dreg:$0x0];
	s2 =	stileid.u32  }
0x90: {  	s1 =	rddreg [dreg:$0x1];
	p0 =	sne.s32 s2, $0x0  }
0x91: {  	s3 =	rddreg [dreg:$0x2];
	[bflag:$0x3] =	sbarrier.arrive $0xFFFF;
	s2 =	simm.s32 @!p0 $0x1C01  }
0x92: {  	[timem:s3], [sflag:s2] =	dma.local @!p0 [hbm:s0], s1  }
0x93: {  	s0 =	simm.s32 @!p0 $0x1  }
0x94: {  	_ =	swait.ge @!p0 [sflag:s0], s1  }
0x95: {  	s1 =	ssub.s32 @!p0 $0x0, s1;
	[sflag:s0] =	ssyncset.done @!p0 $0x0  }
0x96: {  	[sflag:s0] =	ssyncadd.s32 @!p0 s1  }
0x97: {  	[bflag:$0x3] =	sbarrier.arrive $0xFFFF  }
0x98: {  	_ =	shalt  }

</sc_bundles>
